<compile_context>
chip_gen: v7x
topology: tpu7x:2x2x1
jax: 0.10.2.dev20260603
libtpu: 0.0.44.dev20260713+nightly
codegen_flags: <defaults>
</compile_context>

<pallas_src>
import functools

import jax
import jax.numpy as jnp
from jax import lax
from jax.experimental import pallas as pl
from jax.experimental.pallas import tpu as pltpu
from jax.experimental.pallas import tpu_sc as plsc

_N = 2048
_D = 1024
_F = 1024
_E = 16
_B = 128
_G = 32
_PADN = _G * _B
_FC = 512
_NFC = _F // _FC
_BS = 256
_ALPHA = 1.702
_LIMIT = 7.0


def _sigmoid(z):
    return 1.0 / (1.0 + jnp.exp(-z))


def _dot_bf16(a, b, cd):
    return lax.dot_general(a.astype(jnp.bfloat16), b.astype(jnp.bfloat16), cd,
                           preferred_element_type=jnp.float32)


def _route_body(x_ref, gw_ref, gb_ref, dest_ref, w_ref, be_ref, bv_ref):
    x = x_ref[...]
    gw = gw_ref[...]
    logits = lax.dot_general(x, gw, (((1,), (1,)), ((), ())),
                             preferred_element_type=jnp.float32)
    m = jnp.max(logits, axis=1, keepdims=True)
    ex = jnp.exp(logits - m)
    orig = ex / jnp.sum(ex, axis=1, keepdims=True)
    scores = orig + gb_ref[...]
    smax = jnp.max(scores, axis=1, keepdims=True)
    lane = lax.broadcasted_iota(jnp.int32, (_N, _E), 1)
    cand = jnp.where(scores >= smax, lane, _E)
    idx = jnp.min(cand, axis=1, keepdims=True)
    onehot = (lane == idx).astype(jnp.float32)
    weight = jnp.sum(orig * onehot, axis=1, keepdims=True)

    cum = onehot
    s = 1
    while s < _N:
        cum = cum + jnp.concatenate(
            [jnp.zeros((s, _E), jnp.float32), cum[: _N - s]], axis=0)
        s *= 2
    rank = jnp.sum((cum - onehot) * onehot, axis=1, keepdims=True)

    counts = jnp.sum(onehot, axis=0, keepdims=True)
    padded = jnp.ceil(counts / _B) * _B
    tri = (lax.broadcasted_iota(jnp.int32, (_E, _E), 0)
           < lax.broadcasted_iota(jnp.int32, (_E, _E), 1)).astype(jnp.float32)
    off = lax.dot_general(padded, tri, (((1,), (0,)), ((), ())),
                          preferred_element_type=jnp.float32)
    dest = jnp.sum(onehot * off, axis=1, keepdims=True) + rank
    dest_ref[...] = dest.astype(jnp.int32)
    w_ref[...] = weight

    total = jnp.sum(padded)
    grow = lax.broadcasted_iota(jnp.int32, (_G, _E), 0).astype(jnp.float32) * _B
    r = jnp.minimum(grow, total - _B)
    elane = lax.broadcasted_iota(jnp.int32, (_G, _E), 1).astype(jnp.float32)
    inreg = jnp.where((off <= r) & (r < off + padded), elane, 0.0)
    be_ref[...] = jnp.sum(inreg, axis=1, keepdims=True).astype(jnp.int32)
    bv_ref[...] = (grow[:, :1] < total).astype(jnp.int32)


def _route(xf, gate_w, gb2):
    return pl.pallas_call(
        _route_body,
        out_shape=[
            jax.ShapeDtypeStruct((_N, 1), jnp.int32),
            jax.ShapeDtypeStruct((_N, 1), jnp.float32),
            jax.ShapeDtypeStruct((_G, 1), jnp.int32),
            jax.ShapeDtypeStruct((_G, 1), jnp.int32),
        ],
    )(xf, gate_w, gb2)


_NW = 32
_ROWS_W = _N // _NW


def _sc_mesh():
    return plsc.VectorSubcoreMesh(core_axis_name="c", subcore_axis_name="s")


def _sc_scatter_body(x_hbm, dest_hbm, out_hbm, idx_v, rows_v, sem):
    wid = lax.axis_index("s") * 2 + lax.axis_index("c")
    base = wid * _ROWS_W
    pltpu.sync_copy(dest_hbm.at[pl.ds(base, _ROWS_W)], idx_v)
    pltpu.sync_copy(x_hbm.at[pl.ds(base, _ROWS_W)], rows_v)
    pltpu.async_copy(rows_v, out_hbm.at[idx_v], sem).wait()


def _sc_scatter(xf, dest1):
    return pl.kernel(
        _sc_scatter_body,
        out_type=jax.ShapeDtypeStruct((_PADN, _D), jnp.float32),
        mesh=_sc_mesh(),
        scratch_types=[
            pltpu.VMEM((_ROWS_W,), jnp.int32),
            pltpu.VMEM((_ROWS_W, _D), jnp.float32),
            pltpu.SemaphoreType.DMA,
        ],
    )(xf, dest1)


def _sc_gather_body(ys_hbm, dest_hbm, out_hbm, idx_v, rows_v, sem):
    wid = lax.axis_index("s") * 2 + lax.axis_index("c")
    base = wid * _ROWS_W
    pltpu.sync_copy(dest_hbm.at[pl.ds(base, _ROWS_W)], idx_v)
    pltpu.async_copy(ys_hbm.at[idx_v], rows_v, sem).wait()
    pltpu.sync_copy(rows_v, out_hbm.at[pl.ds(base, _ROWS_W)])


def _sc_gather(ys, dest1):
    return pl.kernel(
        _sc_gather_body,
        out_type=jax.ShapeDtypeStruct((_N, _D), jnp.float32),
        mesh=_sc_mesh(),
        scratch_types=[
            pltpu.VMEM((_ROWS_W,), jnp.int32),
            pltpu.VMEM((_ROWS_W, _D), jnp.float32),
            pltpu.SemaphoreType.DMA,
        ],
    )(ys, dest1)


_F2 = 2 * _F
_FC2 = 2 * _FC


def _swiglu_pair(h1, h3, rows):
    p = h1 * h3
    lane = lax.broadcasted_iota(jnp.int32, (rows, _FC2), 1)
    xg = jnp.minimum(p, _LIMIT)
    fg = xg * _sigmoid(_ALPHA * xg)
    gl = jnp.clip(p, -_LIMIT, _LIMIT) + 1.0
    q = jnp.where(lane % 2 == 0, fg, gl)
    return q * pltpu.roll(q, 1, 1)


def _ffn_body(be_ref, bv_ref, xs_ref, w1_ref, w3_ref, w2_ref,
              b1_ref, b3_ref, b2_ref, c_ref, ys_ref):
    g = pl.program_id(0)
    fc = pl.program_id(1)

    @pl.when(bv_ref[g] > 0)
    def _():
        x = xs_ref[...]
        cd = (((1,), (1,)), ((), ()))
        w1c = w1_ref[0, pl.ds(fc * _FC2, _FC2), :]
        w3c = w3_ref[0, pl.ds(fc * _FC2, _FC2), :]
        h1 = _dot_bf16(x, w1c, cd) + b1_ref[0, :, pl.ds(fc * _FC2, _FC2)]
        h3 = _dot_bf16(x, w3c, cd) + b3_ref[0, :, pl.ds(fc * _FC2, _FC2)]
        r = _swiglu_pair(h1, h3, _B)
        hc = _dot_bf16(r, c_ref[...], (((1,), (0,)), ((), ())))
        y = _dot_bf16(hc, w2_ref[0], cd)

        @pl.when(fc == 0)
        def _():
            ys_ref[...] = y + b2_ref[0]

        @pl.when(fc > 0)
        def _():
            ys_ref[...] = ys_ref[...] + y


def _ffn(be1, bv1, xs, W1, W3, W2, b1r, b3r, b2r, cmat):
    grid_spec = pltpu.PrefetchScalarGridSpec(
        num_scalar_prefetch=2,
        grid=(_G, _NFC),
        in_specs=[
            pl.BlockSpec((_B, _D), lambda g, fc, be, bv: (g, 0)),
            pl.BlockSpec((1, _F2, _D), lambda g, fc, be, bv: (be[g], 0, 0)),
            pl.BlockSpec((1, _F2, _D), lambda g, fc, be, bv: (be[g], 0, 0)),
            pl.BlockSpec((1, _D, _FC), lambda g, fc, be, bv: (be[g], 0, fc)),
            pl.BlockSpec((1, 1, _F2), lambda g, fc, be, bv: (be[g], 0, 0)),
            pl.BlockSpec((1, 1, _F2), lambda g, fc, be, bv: (be[g], 0, 0)),
            pl.BlockSpec((1, 1, _D), lambda g, fc, be, bv: (be[g], 0, 0)),
            pl.BlockSpec((_FC2, _FC), lambda g, fc, be, bv: (0, 0)),
        ],
        out_specs=pl.BlockSpec((_B, _D), lambda g, fc, be, bv: (g, 0)),
    )
    return pl.pallas_call(
        _ffn_body,
        grid_spec=grid_spec,
        out_shape=jax.ShapeDtypeStruct((_PADN, _D), jnp.float32),
        compiler_params=pltpu.CompilerParams(
            dimension_semantics=("arbitrary", "arbitrary"),
            vmem_limit_bytes=56 * 1024 * 1024),
    )(be1, bv1, xs, W1, W3, W2, b1r, b3r, b2r, cmat)


def _shared_body(x_ref, rt_ref, w_ref, w1_ref, w3_ref, w2_ref,
                 b1_ref, b3_ref, b2_ref, c_ref, out_ref):
    fc = pl.program_id(1)
    x = x_ref[...]
    cd = (((1,), (1,)), ((), ()))
    w1c = w1_ref[pl.ds(fc * _FC2, _FC2), :]
    w3c = w3_ref[pl.ds(fc * _FC2, _FC2), :]
    h1 = _dot_bf16(x, w1c, cd) + b1_ref[:, pl.ds(fc * _FC2, _FC2)]
    h3 = _dot_bf16(x, w3c, cd) + b3_ref[:, pl.ds(fc * _FC2, _FC2)]
    r = _swiglu_pair(h1, h3, _BS)
    hc = _dot_bf16(r, c_ref[...], (((1,), (0,)), ((), ())))
    y = _dot_bf16(hc, w2_ref[...], cd)

    @pl.when(fc == 0)
    def _():
        out_ref[...] = y + b2_ref[...] + rt_ref[...] * w_ref[...]

    @pl.when(fc > 0)
    def _():
        out_ref[...] = out_ref[...] + y


def _shared(xf, routed, w, sW1, sW3, sW2, sb1r, sb3r, sb2r, cmat):
    return pl.pallas_call(
        _shared_body,
        grid=(_N // _BS, _NFC),
        in_specs=[
            pl.BlockSpec((_BS, _D), lambda t, fc: (t, 0)),
            pl.BlockSpec((_BS, _D), lambda t, fc: (t, 0)),
            pl.BlockSpec((_BS, 1), lambda t, fc: (t, 0)),
            pl.BlockSpec((_F2, _D), lambda t, fc: (0, 0)),
            pl.BlockSpec((_F2, _D), lambda t, fc: (0, 0)),
            pl.BlockSpec((_D, _FC), lambda t, fc: (0, fc)),
            pl.BlockSpec((1, _F2), lambda t, fc: (0, 0)),
            pl.BlockSpec((1, _F2), lambda t, fc: (0, 0)),
            pl.BlockSpec((1, _D), lambda t, fc: (0, 0)),
            pl.BlockSpec((_FC2, _FC), lambda t, fc: (0, 0)),
        ],
        out_specs=pl.BlockSpec((_BS, _D), lambda t, fc: (t, 0)),
        out_shape=jax.ShapeDtypeStruct((_N, _D), jnp.float32),
        compiler_params=pltpu.CompilerParams(
            dimension_semantics=("arbitrary", "arbitrary"),
            vmem_limit_bytes=56 * 1024 * 1024),
    )(xf, routed, w, sW1, sW3, sW2, sb1r, sb3r, sb2r, cmat)


def kernel(x, gate_w, gate_b, W1, b1, W2, b2, W3, b3,
           sW1, sb1, sW2, sb2, sW3, sb3):
    xf = x.reshape(_N, _D)
    dest, w, be, bv = _route(xf, gate_w, gate_b.reshape(1, _E))
    dest1 = dest.reshape(_N)
    xs = _sc_scatter(xf, dest1)
    cmat = (lax.broadcasted_iota(jnp.int32, (_FC2, _FC), 0)
            == 2 * lax.broadcasted_iota(jnp.int32, (_FC2, _FC), 1) + 1
            ).astype(jnp.float32)
    ys = _ffn(
        be.reshape(_G), bv.reshape(_G), xs,
        W1, W3, W2,
        b1.reshape(_E, 1, _F2), b3.reshape(_E, 1, _F2),
        b2.reshape(_E, 1, _D), cmat)
    routed = _sc_gather(ys, dest1)
    out = _shared(
        xf, routed, w, sW1, sW3, sW2,
        sb1.reshape(1, _F2), sb3.reshape(1, _F2),
        sb2.reshape(1, _D), cmat)
    return out.reshape(x.shape)

# --- scband reference (transcript-rebuilt; emitter-appended) ---
"""Pipeline reference for scband-mo-e-40372692582952 (READ-ONLY COPY).

The authoritative reference and input builder live on the scoring server;
editing this copy changes nothing except your own understanding.
"""

import jax, jax.numpy as jnp
import numpy as np

D = 1024
F = 1024
E = 16
TOPK = 1
ROUTE_SCALE = 1.0


def swiglu(x, alpha=1.702, limit=7.0):
    x_glu = x[..., ::2]
    x_lin = x[..., 1::2]
    x_glu = jnp.minimum(x_glu, limit)
    x_lin = jnp.clip(x_lin, -limit, limit)
    out_glu = x_glu * jax.nn.sigmoid(alpha * x_glu)
    return out_glu * (x_lin + 1.0)


def expert_ffn(x, w1, bb1, w2, bb2, w3, bb3):
    h = swiglu((x @ w1.T + bb1) * (x @ w3.T + bb3))
    return h @ w2.T + bb2


def setup_inputs(seed: int = 0):
    key = jax.random.key(seed)
    ks = jax.random.split(key, 16)
    s = 0.02
    return {
        "x": jax.random.normal(ks[0], (1, 2048, D), dtype=jnp.float32),
        "gate_w": jax.random.normal(ks[1], (E, D), dtype=jnp.float32) * s,
        "gate_b": jax.random.normal(ks[2], (E,), dtype=jnp.float32) * s,
        "W1": jax.random.normal(ks[3], (E, 2 * F, D), dtype=jnp.float32) * s,
        "b1": jax.random.normal(ks[4], (E, 2 * F), dtype=jnp.float32) * s,
        "W2": jax.random.normal(ks[5], (E, D, F), dtype=jnp.float32) * s,
        "b2": jax.random.normal(ks[6], (E, D), dtype=jnp.float32) * s,
        "W3": jax.random.normal(ks[7], (E, 2 * F, D), dtype=jnp.float32) * s,
        "b3": jax.random.normal(ks[8], (E, 2 * F), dtype=jnp.float32) * s,
        "sW1": jax.random.normal(ks[9], (2 * F, D), dtype=jnp.float32) * s,
        "sb1": jax.random.normal(ks[10], (2 * F,), dtype=jnp.float32) * s,
        "sW2": jax.random.normal(ks[11], (D, F), dtype=jnp.float32) * s,
        "sb2": jax.random.normal(ks[12], (D,), dtype=jnp.float32) * s,
        "sW3": jax.random.normal(ks[13], (2 * F, D), dtype=jnp.float32) * s,
        "sb3": jax.random.normal(ks[14], (2 * F,), dtype=jnp.float32) * s,
    }


def reference(x, gate_w, gate_b, W1, b1, W2, b2, W3, b3, sW1, sb1, sW2, sb2, sW3, sb3):
    inp_shape = x.shape
    xf = x.reshape(-1, D)
    # Gate: scores = softmax(x @ W_g^T), bias added only for expert selection
    logits = xf @ gate_w.T
    orig = jax.nn.softmax(logits.astype(jnp.float32), axis=-1)
    scores = orig + gate_b.astype(jnp.float32)
    # n_groups == 1: group masking branch is skipped
    idx = jax.lax.top_k(scores, TOPK)[1]
    weights = jnp.take_along_axis(orig, idx, axis=1) * ROUTE_SCALE
    weights = weights.astype(x.dtype)
    out = jnp.zeros_like(xf)
    for i in range(E):
        mask = idx == i
        wi = jnp.sum(jnp.where(mask, weights, jnp.zeros_like(weights)), axis=1)
        yi = expert_ffn(xf, W1[i], b1[i], W2[i], b2[i], W3[i], b3[i])
        out = out + wi[:, None] * yi
    shared = expert_ffn(xf, sW1, sb1, sW2, sb2, sW3, sb3)
    return (out + shared).reshape(inp_shape)

if __name__ == "__main__":
    import jax
    _d = setup_inputs()
    print(jax.jit(kernel)(*tuple(_d.values())))

</pallas_src>

<mosaic_0001>
#map = affine_map<(d0, d1) -> (0, 0)>
#map1 = affine_map<(d0, d1) -> (0)>
module attributes {stable_mosaic.version = 14 : i64} {
  func.func @_sc_gather_body(%arg0: i32, %arg1: i32, %arg2: memref<4096x1024xf32, #tpu.memory_space<hbm>>, %arg3: memref<2048xi32, #tpu.memory_space<hbm>>, %arg4: memref<2048x1024xf32, #tpu.memory_space<hbm>>, %arg5: memref<64xi32, #tpu.memory_space<vmem>>, %arg6: memref<64x1024xf32, #tpu.memory_space<vmem>>, %arg7: memref<!tpu.dma_semaphore, #tpu.memory_space<semaphore_mem>>) attributes {dimension_semantics = [#tpu.dimension_semantics<core_parallel>, #tpu.dimension_semantics<subcore_parallel>], iteration_bounds = array<i64: 2, 16>, scalar_prefetch = 0 : i64, scratch_operands = 3 : i64, tpu.core_type = #tpu.core_type<sc_vector_subcore>, window_params = [{transform_indices = #map}, {transform_indices = #map1}, {transform_indices = #map}]} {
    %mul3A = arith.constant 2 : i32
    %mul3A_0 = arith.muli %arg1, %mul3A : i32
    %add3A = arith.addi %mul3A_0, %arg0 : i32
    %mul3A_1 = arith.constant 64 : i32
    %mul3A_2 = arith.muli %add3A, %mul3A_1 : i32
    "tpu.region"() ({
      %run_scoped3A = tpu.sem_alloc : memref<!tpu.dma_semaphore, #tpu.memory_space<semaphore_mem>>
      %dma_start3A_7 = tpu.memref_slice %arg3[%mul3A_2] : memref<2048xi32, #tpu.memory_space<hbm>> -> memref<64xi32, #tpu.memory_space<hbm>>
      %dma_start3A_8 = tpu.memref_slice %arg3[%mul3A_2] : memref<2048xi32, #tpu.memory_space<hbm>> -> memref<64xi32, #tpu.memory_space<hbm>>
      tpu.enqueue_dma source(%dma_start3A_8 : memref<64xi32, #tpu.memory_space<hbm>>) target(%arg5 : memref<64xi32, #tpu.memory_space<vmem>>) target_semaphore(%run_scoped3A : memref<!tpu.dma_semaphore, #tpu.memory_space<semaphore_mem>>)
      %dma_wait3A_9 = tpu.memref_slice %arg3[%mul3A_2] : memref<2048xi32, #tpu.memory_space<hbm>> -> memref<64xi32, #tpu.memory_space<hbm>>
      %dma_wait3A_10 = tpu.memref_slice %arg3[%mul3A_2] : memref<2048xi32, #tpu.memory_space<hbm>> -> memref<64xi32, #tpu.memory_space<hbm>>
      tpu.wait_dma2 semaphore(%run_scoped3A : memref<!tpu.dma_semaphore, #tpu.memory_space<semaphore_mem>>) src(%dma_wait3A_10 : memref<64xi32, #tpu.memory_space<hbm>>) dst(%arg5 : memref<64xi32, #tpu.memory_space<vmem>>)
      tpu.yield
    }) : () -> ()
    %dma_start3A = arith.constant 0 : i32
    %dma_start3A_3 = arith.constant 0 : i32
    %dma_start3A_4 = tpu.memref_slice %arg2[%dma_start3A, %dma_start3A_3] : memref<4096x1024xf32, #tpu.memory_space<hbm>> -> memref<4096x1024xf32, #tpu.memory_space<hbm>>
    tpu.enqueue_indirect_dma source(%dma_start3A_4 : memref<4096x1024xf32, #tpu.memory_space<hbm>>) target(%arg6 : memref<64x1024xf32, #tpu.memory_space<vmem>>) offsets(%arg5 : memref<64xi32, #tpu.memory_space<vmem>>) semaphore(%arg7 : memref<!tpu.dma_semaphore, #tpu.memory_space<semaphore_mem>>)
    %dma_wait3A = arith.constant 0 : i32
    %dma_wait3A_5 = arith.constant 0 : i32
    %dma_wait3A_6 = tpu.memref_slice %arg2[%dma_wait3A, %dma_wait3A_5] : memref<4096x1024xf32, #tpu.memory_space<hbm>> -> memref<4096x1024xf32, #tpu.memory_space<hbm>>
    tpu.wait_indirect_dma semaphore(%arg7 : memref<!tpu.dma_semaphore, #tpu.memory_space<semaphore_mem>>) src(%dma_wait3A_6 : memref<4096x1024xf32, #tpu.memory_space<hbm>>) dst(%arg6 : memref<64x1024xf32, #tpu.memory_space<vmem>>)
    "tpu.region"() ({
      %run_scoped3A = tpu.sem_alloc : memref<!tpu.dma_semaphore, #tpu.memory_space<semaphore_mem>>
      %dma_start3A_7 = arith.constant 0 : i32
      %dma_start3A_8 = tpu.memref_slice %arg4[%mul3A_2, %dma_start3A_7] : memref<2048x1024xf32, #tpu.memory_space<hbm>> -> memref<64x1024xf32, #tpu.memory_space<hbm>>
      %dma_start3A_9 = arith.constant 0 : i32
      %dma_start3A_10 = tpu.memref_slice %arg4[%mul3A_2, %dma_start3A_9] : memref<2048x1024xf32, #tpu.memory_space<hbm>> -> memref<64x1024xf32, #tpu.memory_space<hbm>>
      tpu.enqueue_dma source(%arg6 : memref<64x1024xf32, #tpu.memory_space<vmem>>) target(%dma_start3A_10 : memref<64x1024xf32, #tpu.memory_space<hbm>>) target_semaphore(%run_scoped3A : memref<!tpu.dma_semaphore, #tpu.memory_space<semaphore_mem>>)
      %dma_wait3A_11 = arith.constant 0 : i32
      %dma_wait3A_12 = tpu.memref_slice %arg4[%mul3A_2, %dma_wait3A_11] : memref<2048x1024xf32, #tpu.memory_space<hbm>> -> memref<64x1024xf32, #tpu.memory_space<hbm>>
      %dma_wait3A_13 = arith.constant 0 : i32
      %dma_wait3A_14 = tpu.memref_slice %arg4[%mul3A_2, %dma_wait3A_13] : memref<2048x1024xf32, #tpu.memory_space<hbm>> -> memref<64x1024xf32, #tpu.memory_space<hbm>>
      tpu.wait_dma2 semaphore(%run_scoped3A : memref<!tpu.dma_semaphore, #tpu.memory_space<semaphore_mem>>) src(%arg6 : memref<64x1024xf32, #tpu.memory_space<vmem>>) dst(%dma_wait3A_14 : memref<64x1024xf32, #tpu.memory_space<hbm>>)
      tpu.yield
    }) : () -> ()
    return
  }
}

#map = affine_map<(d0, d1) -> (0, 0)>
#map1 = affine_map<(d0, d1) -> (0)>
module attributes {stable_mosaic.version = 14 : i64} {
  func.func @_sc_scatter_body(%arg0: i32, %arg1: i32, %arg2: memref<2048x1024xf32, #tpu.memory_space<hbm>>, %arg3: memref<2048xi32, #tpu.memory_space<hbm>>, %arg4: memref<4096x1024xf32, #tpu.memory_space<hbm>>, %arg5: memref<64xi32, #tpu.memory_space<vmem>>, %arg6: memref<64x1024xf32, #tpu.memory_space<vmem>>, %arg7: memref<!tpu.dma_semaphore, #tpu.memory_space<semaphore_mem>>) attributes {dimension_semantics = [#tpu.dimension_semantics<core_parallel>, #tpu.dimension_semantics<subcore_parallel>], iteration_bounds = array<i64: 2, 16>, scalar_prefetch = 0 : i64, scratch_operands = 3 : i64, tpu.core_type = #tpu.core_type<sc_vector_subcore>, window_params = [{transform_indices = #map}, {transform_indices = #map1}, {transform_indices = #map}]} {
    %mul3A = arith.constant 2 : i32
    %mul3A_0 = arith.muli %arg1, %mul3A : i32
    %add3A = arith.addi %mul3A_0, %arg0 : i32
    %mul3A_1 = arith.constant 64 : i32
    %mul3A_2 = arith.muli %add3A, %mul3A_1 : i32
    "tpu.region"() ({
      %run_scoped3A = tpu.sem_alloc : memref<!tpu.dma_semaphore, #tpu.memory_space<semaphore_mem>>
      %dma_start3A_7 = tpu.memref_slice %arg3[%mul3A_2] : memref<2048xi32, #tpu.memory_space<hbm>> -> memref<64xi32, #tpu.memory_space<hbm>>
      %dma_start3A_8 = tpu.memref_slice %arg3[%mul3A_2] : memref<2048xi32, #tpu.memory_space<hbm>> -> memref<64xi32, #tpu.memory_space<hbm>>
      tpu.enqueue_dma source(%dma_start3A_8 : memref<64xi32, #tpu.memory_space<hbm>>) target(%arg5 : memref<64xi32, #tpu.memory_space<vmem>>) target_semaphore(%run_scoped3A : memref<!tpu.dma_semaphore, #tpu.memory_space<semaphore_mem>>)
      %dma_wait3A_9 = tpu.memref_slice %arg3[%mul3A_2] : memref<2048xi32, #tpu.memory_space<hbm>> -> memref<64xi32, #tpu.memory_space<hbm>>
      %dma_wait3A_10 = tpu.memref_slice %arg3[%mul3A_2] : memref<2048xi32, #tpu.memory_space<hbm>> -> memref<64xi32, #tpu.memory_space<hbm>>
      tpu.wait_dma2 semaphore(%run_scoped3A : memref<!tpu.dma_semaphore, #tpu.memory_space<semaphore_mem>>) src(%dma_wait3A_10 : memref<64xi32, #tpu.memory_space<hbm>>) dst(%arg5 : memref<64xi32, #tpu.memory_space<vmem>>)
      tpu.yield
    }) : () -> ()
    "tpu.region"() ({
      %run_scoped3A = tpu.sem_alloc : memref<!tpu.dma_semaphore, #tpu.memory_space<semaphore_mem>>
      %dma_start3A_7 = arith.constant 0 : i32
      %dma_start3A_8 = tpu.memref_slice %arg2[%mul3A_2, %dma_start3A_7] : memref<2048x1024xf32, #tpu.memory_space<hbm>> -> memref<64x1024xf32, #tpu.memory_space<hbm>>
      %dma_start3A_9 = arith.constant 0 : i32
      %dma_start3A_10 = tpu.memref_slice %arg2[%mul3A_2, %dma_start3A_9] : memref<2048x1024xf32, #tpu.memory_space<hbm>> -> memref<64x1024xf32, #tpu.memory_space<hbm>>
      tpu.enqueue_dma source(%dma_start3A_10 : memref<64x1024xf32, #tpu.memory_space<hbm>>) target(%arg6 : memref<64x1024xf32, #tpu.memory_space<vmem>>) target_semaphore(%run_scoped3A : memref<!tpu.dma_semaphore, #tpu.memory_space<semaphore_mem>>)
      %dma_wait3A_11 = arith.constant 0 : i32
      %dma_wait3A_12 = tpu.memref_slice %arg2[%mul3A_2, %dma_wait3A_11] : memref<2048x1024xf32, #tpu.memory_space<hbm>> -> memref<64x1024xf32, #tpu.memory_space<hbm>>
      %dma_wait3A_13 = arith.constant 0 : i32
      %dma_wait3A_14 = tpu.memref_slice %arg2[%mul3A_2, %dma_wait3A_13] : memref<2048x1024xf32, #tpu.memory_space<hbm>> -> memref<64x1024xf32, #tpu.memory_space<hbm>>
      tpu.wait_dma2 semaphore(%run_scoped3A : memref<!tpu.dma_semaphore, #tpu.memory_space<semaphore_mem>>) src(%dma_wait3A_14 : memref<64x1024xf32, #tpu.memory_space<hbm>>) dst(%arg6 : memref<64x1024xf32, #tpu.memory_space<vmem>>)
      tpu.yield
    }) : () -> ()
    %dma_start3A = arith.constant 0 : i32
    %dma_start3A_3 = arith.constant 0 : i32
    %dma_start3A_4 = tpu.memref_slice %arg4[%dma_start3A, %dma_start3A_3] : memref<4096x1024xf32, #tpu.memory_space<hbm>> -> memref<4096x1024xf32, #tpu.memory_space<hbm>>
    tpu.enqueue_indirect_dma source(%arg6 : memref<64x1024xf32, #tpu.memory_space<vmem>>) target(%dma_start3A_4 : memref<4096x1024xf32, #tpu.memory_space<hbm>>) offsets(%arg5 : memref<64xi32, #tpu.memory_space<vmem>>) semaphore(%arg7 : memref<!tpu.dma_semaphore, #tpu.memory_space<semaphore_mem>>)
    %dma_wait3A = arith.constant 0 : i32
    %dma_wait3A_5 = arith.constant 0 : i32
    %dma_wait3A_6 = tpu.memref_slice %arg4[%dma_wait3A, %dma_wait3A_5] : memref<4096x1024xf32, #tpu.memory_space<hbm>> -> memref<4096x1024xf32, #tpu.memory_space<hbm>>
    tpu.wait_indirect_dma semaphore(%arg7 : memref<!tpu.dma_semaphore, #tpu.memory_space<semaphore_mem>>) src(%arg6 : memref<64x1024xf32, #tpu.memory_space<vmem>>) dst(%dma_wait3A_6 : memref<4096x1024xf32, #tpu.memory_space<hbm>>)
    return
  }
}

module attributes {stable_mosaic.version = 14 : i64} {
  func.func @_route_body(%arg0: memref<2048x1024xf32, #tpu.memory_space<vmem>>, %arg1: memref<16x1024xf32, #tpu.memory_space<vmem>>, %arg2: memref<1x16xf32, #tpu.memory_space<vmem>>, %arg3: memref<2048x1xi32, #tpu.memory_space<vmem>>, %arg4: memref<2048x1xf32, #tpu.memory_space<vmem>>, %arg5: memref<32x1xi32, #tpu.memory_space<vmem>>, %arg6: memref<32x1xi32, #tpu.memory_space<vmem>>) attributes {dimension_semantics = [], scalar_prefetch = 0 : i64, scratch_operands = 0 : i64, tpu.core_type = #tpu.core_type<tc>} {
    %get3A = arith.constant 0 : index
    %get3A_0 = arith.constant 0 : index
    %get3A_1 = vector.load %arg0[%get3A, %get3A_0] : memref<2048x1024xf32, #tpu.memory_space<vmem>>, vector<2048x1024xf32>
    %get3A_2 = arith.constant 0 : index
    %get3A_3 = arith.constant 0 : index
    %get3A_4 = vector.load %arg1[%get3A_2, %get3A_3] : memref<16x1024xf32, #tpu.memory_space<vmem>>, vector<16x1024xf32>
    %dot_general3A = arith.constant dense<0.000000e+00> : vector<2048x16xf32>
    %dot_general3A_5 = tpu.matmul %get3A_1, %get3A_4, %dot_general3A {dimension_numbers = #tpu.dot_dimension_numbers<[1], [1], [0], [0], [0, 0, 1, 0], [], []>, transpose_lhs_hint = false} : vector<2048x1024xf32>, vector<16x1024xf32>, vector<2048x16xf32> -> vector<2048x16xf32>
    %reduce_max3A = arith.constant dense<0xFF800000> : vector<2048xf32>
    %reduce_max3A_6 = vector.multi_reduction <maximumf>, %dot_general3A_5, %reduce_max3A [1] : vector<2048x16xf32> to vector<2048xf32>
    %broadcast_in_dim3A = vector.shape_cast %reduce_max3A_6 : vector<2048xf32> to vector<2048x1xf32>
    %sub3A = vector.broadcast %broadcast_in_dim3A : vector<2048x1xf32> to vector<2048x16xf32>
    %sub3A_7 = arith.subf %dot_general3A_5, %sub3A : vector<2048x16xf32>
    %exp3A = math.exp %sub3A_7 : vector<2048x16xf32>
    %reduce_sum3A = arith.constant dense<0.000000e+00> : vector<2048xf32>
    %reduce_sum3A_8 = vector.multi_reduction <add>, %exp3A, %reduce_sum3A [1] : vector<2048x16xf32> to vector<2048xf32>
    %broadcast_in_dim3A_9 = vector.shape_cast %reduce_sum3A_8 : vector<2048xf32> to vector<2048x1xf32>
    %div3A = vector.broadcast %broadcast_in_dim3A_9 : vector<2048x1xf32> to vector<2048x16xf32>
    %div3A_10 = arith.divf %exp3A, %div3A : vector<2048x16xf32>
    %get3A_11 = arith.constant 0 : index
    %get3A_12 = arith.constant 0 : index
    %get3A_13 = vector.load %arg2[%get3A_11, %get3A_12] : memref<1x16xf32, #tpu.memory_space<vmem>>, vector<1x16xf32>
    %add3A = vector.broadcast %get3A_13 : vector<1x16xf32> to vector<2048x16xf32>
    %add3A_14 = arith.addf %div3A_10, %add3A : vector<2048x16xf32>
    %reduce_max3A_15 = arith.constant dense<0xFF800000> : vector<2048xf32>
    %reduce_max3A_16 = vector.multi_reduction <maximumf>, %add3A_14, %reduce_max3A_15 [1] : vector<2048x16xf32> to vector<2048xf32>
    %broadcast_in_dim3A_17 = vector.shape_cast %reduce_max3A_16 : vector<2048xf32> to vector<2048x1xf32>
    %iota3A = tpu.iota {dimensions = array<i32: 1>} : vector<2048x16xi32>
    %ge3A = vector.broadcast %broadcast_in_dim3A_17 : vector<2048x1xf32> to vector<2048x16xf32>
    %ge3A_18 = arith.cmpf oge, %add3A_14, %ge3A : vector<2048x16xf32>
    %jit3A = arith.constant 16 : i32
    %broadcast_in_dim3A_19 = vector.broadcast %jit3A : i32 to vector<2048x16xi32>
    %select_n3A = arith.select %ge3A_18, %iota3A, %broadcast_in_dim3A_19 : vector<2048x16xi1>, vector<2048x16xi32>
    %reduce_min3A = arith.constant dense<2147483647> : vector<2048xi32>
    %reduce_min3A_20 = vector.multi_reduction <minsi>, %select_n3A, %reduce_min3A [1] : vector<2048x16xi32> to vector<2048xi32>
    %broadcast_in_dim3A_21 = vector.shape_cast %reduce_min3A_20 : vector<2048xi32> to vector<2048x1xi32>
    %eq3A = vector.broadcast %broadcast_in_dim3A_21 : vector<2048x1xi32> to vector<2048x16xi32>
    %eq3A_22 = arith.cmpi eq, %iota3A, %eq3A : vector<2048x16xi32>
    %convert_element_type3A = arith.extui %eq3A_22 : vector<2048x16xi1> to vector<2048x16xi32>
    %convert_element_type3A_23 = arith.sitofp %convert_element_type3A : vector<2048x16xi32> to vector<2048x16xf32>
    %mul3A = arith.mulf %div3A_10, %convert_element_type3A_23 : vector<2048x16xf32>
    %reduce_sum3A_24 = arith.constant dense<0.000000e+00> : vector<2048xf32>
    %reduce_sum3A_25 = vector.multi_reduction <add>, %mul3A, %reduce_sum3A_24 [1] : vector<2048x16xf32> to vector<2048xf32>
    %broadcast_in_dim3A_26 = vector.shape_cast %reduce_sum3A_25 : vector<2048xf32> to vector<2048x1xf32>
    %broadcast_in_dim3A_27 = arith.constant 0.000000e+00 : f32
    %broadcast_in_dim3A_28 = vector.broadcast %broadcast_in_dim3A_27 : f32 to vector<1x16xf32>
    %slice3A = vector.extract_strided_slice %convert_element_type3A_23 {offsets = [0, 0], sizes = [2047, 16], strides = [1, 1]} : vector<2048x16xf32> to vector<2047x16xf32>
    %concatenate3A = tpu.concatenate %broadcast_in_dim3A_28, %slice3A in 0 : vector<1x16xf32>, vector<2047x16xf32> -> vector<2048x16xf32>
    %add3A_29 = arith.addf %convert_element_type3A_23, %concatenate3A : vector<2048x16xf32>
    %broadcast_in_dim3A_30 = arith.constant 0.000000e+00 : f32
    %broadcast_in_dim3A_31 = vector.broadcast %broadcast_in_dim3A_30 : f32 to vector<2x16xf32>
    %slice3A_32 = vector.extract_strided_slice %add3A_29 {offsets = [0, 0], sizes = [2046, 16], strides = [1, 1]} : vector<2048x16xf32> to vector<2046x16xf32>
    %concatenate3A_33 = tpu.concatenate %broadcast_in_dim3A_31, %slice3A_32 in 0 : vector<2x16xf32>, vector<2046x16xf32> -> vector<2048x16xf32>
    %add3A_34 = arith.addf %add3A_29, %concatenate3A_33 : vector<2048x16xf32>
    %broadcast_in_dim3A_35 = arith.constant 0.000000e+00 : f32
    %broadcast_in_dim3A_36 = vector.broadcast %broadcast_in_dim3A_35 : f32 to vector<4x16xf32>
    %slice3A_37 = vector.extract_strided_slice %add3A_34 {offsets = [0, 0], sizes = [2044, 16], strides = [1, 1]} : vector<2048x16xf32> to vector<2044x16xf32>
    %concatenate3A_38 = tpu.concatenate %broadcast_in_dim3A_36, %slice3A_37 in 0 : vector<4x16xf32>, vector<2044x16xf32> -> vector<2048x16xf32>
    %add3A_39 = arith.addf %add3A_34, %concatenate3A_38 : vector<2048x16xf32>
    %broadcast_in_dim3A_40 = arith.constant 0.000000e+00 : f32
    %broadcast_in_dim3A_41 = vector.broadcast %broadcast_in_dim3A_40 : f32 to vector<8x16xf32>
    %slice3A_42 = vector.extract_strided_slice %add3A_39 {offsets = [0, 0], sizes = [2040, 16], strides = [1, 1]} : vector<2048x16xf32> to vector<2040x16xf32>
    %concatenate3A_43 = tpu.concatenate %broadcast_in_dim3A_41, %slice3A_42 in 0 : vector<8x16xf32>, vector<2040x16xf32> -> vector<2048x16xf32>
    %add3A_44 = arith.addf %add3A_39, %concatenate3A_43 : vector<2048x16xf32>
    %broadcast_in_dim3A_45 = arith.constant 0.000000e+00 : f32
    %broadcast_in_dim3A_46 = vector.broadcast %broadcast_in_dim3A_45 : f32 to vector<16x16xf32>
    %slice3A_47 = vector.extract_strided_slice %add3A_44 {offsets = [0, 0], sizes = [2032, 16], strides = [1, 1]} : vector<2048x16xf32> to vector<2032x16xf32>
    %concatenate3A_48 = tpu.concatenate %broadcast_in_dim3A_46, %slice3A_47 in 0 : vector<16x16xf32>, vector<2032x16xf32> -> vector<2048x16xf32>
    %add3A_49 = arith.addf %add3A_44, %concatenate3A_48 : vector<2048x16xf32>
    %broadcast_in_dim3A_50 = arith.constant 0.000000e+00 : f32
    %broadcast_in_dim3A_51 = vector.broadcast %broadcast_in_dim3A_50 : f32 to vector<32x16xf32>
    %slice3A_52 = vector.extract_strided_slice %add3A_49 {offsets = [0, 0], sizes = [2016, 16], strides = [1, 1]} : vector<2048x16xf32> to vector<2016x16xf32>
    %concatenate3A_53 = tpu.concatenate %broadcast_in_dim3A_51, %slice3A_52 in 0 : vector<32x16xf32>, vector<2016x16xf32> -> vector<2048x16xf32>
    %add3A_54 = arith.addf %add3A_49, %concatenate3A_53 : vector<2048x16xf32>
    %broadcast_in_dim3A_55 = arith.constant 0.000000e+00 : f32
    %broadcast_in_dim3A_56 = vector.broadcast %broadcast_in_dim3A_55 : f32 to vector<64x16xf32>
    %slice3A_57 = vector.extract_strided_slice %add3A_54 {offsets = [0, 0], sizes = [1984, 16], strides = [1, 1]} : vector<2048x16xf32> to vector<1984x16xf32>
    %concatenate3A_58 = tpu.concatenate %broadcast_in_dim3A_56, %slice3A_57 in 0 : vector<64x16xf32>, vector<1984x16xf32> -> vector<2048x16xf32>
    %add3A_59 = arith.addf %add3A_54, %concatenate3A_58 : vector<2048x16xf32>
    %broadcast_in_dim3A_60 = arith.constant 0.000000e+00 : f32
    %broadcast_in_dim3A_61 = vector.broadcast %broadcast_in_dim3A_60 : f32 to vector<128x16xf32>
    %slice3A_62 = vector.extract_strided_slice %add3A_59 {offsets = [0, 0], sizes = [1920, 16], strides = [1, 1]} : vector<2048x16xf32> to vector<1920x16xf32>
    %concatenate3A_63 = tpu.concatenate %broadcast_in_dim3A_61, %slice3A_62 in 0 : vector<128x16xf32>, vector<1920x16xf32> -> vector<2048x16xf32>
    %add3A_64 = arith.addf %add3A_59, %concatenate3A_63 : vector<2048x16xf32>
    %broadcast_in_dim3A_65 = arith.constant 0.000000e+00 : f32
    %broadcast_in_dim3A_66 = vector.broadcast %broadcast_in_dim3A_65 : f32 to vector<256x16xf32>
    %slice3A_67 = vector.extract_strided_slice %add3A_64 {offsets = [0, 0], sizes = [1792, 16], strides = [1, 1]} : vector<2048x16xf32> to vector<1792x16xf32>
    %concatenate3A_68 = tpu.concatenate %broadcast_in_dim3A_66, %slice3A_67 in 0 : vector<256x16xf32>, vector<1792x16xf32> -> vector<2048x16xf32>
    %add3A_69 = arith.addf %add3A_64, %concatenate3A_68 : vector<2048x16xf32>
    %broadcast_in_dim3A_70 = arith.constant 0.000000e+00 : f32
    %broadcast_in_dim3A_71 = vector.broadcast %broadcast_in_dim3A_70 : f32 to vector<512x16xf32>
    %slice3A_72 = vector.extract_strided_slice %add3A_69 {offsets = [0, 0], sizes = [1536, 16], strides = [1, 1]} : vector<2048x16xf32> to vector<1536x16xf32>
    %concatenate3A_73 = tpu.concatenate %broadcast_in_dim3A_71, %slice3A_72 in 0 : vector<512x16xf32>, vector<1536x16xf32> -> vector<2048x16xf32>
    %add3A_74 = arith.addf %add3A_69, %concatenate3A_73 : vector<2048x16xf32>
    %broadcast_in_dim3A_75 = arith.constant 0.000000e+00 : f32
    %broadcast_in_dim3A_76 = vector.broadcast %broadcast_in_dim3A_75 : f32 to vector<1024x16xf32>
    %slice3A_77 = vector.extract_strided_slice %add3A_74 {offsets = [0, 0], sizes = [1024, 16], strides = [1, 1]} : vector<2048x16xf32> to vector<1024x16xf32>
    %concatenate3A_78 = tpu.concatenate %broadcast_in_dim3A_76, %slice3A_77 in 0 : vector<1024x16xf32>, vector<1024x16xf32> -> vector<2048x16xf32>
    %add3A_79 = arith.addf %add3A_74, %concatenate3A_78 : vector<2048x16xf32>
    %sub3A_80 = arith.subf %add3A_79, %convert_element_type3A_23 : vector<2048x16xf32>
    %mul3A_81 = arith.mulf %sub3A_80, %convert_element_type3A_23 : vector<2048x16xf32>
    %reduce_sum3A_82 = arith.constant dense<0.000000e+00> : vector<2048xf32>
    %reduce_sum3A_83 = vector.multi_reduction <add>, %mul3A_81, %reduce_sum3A_82 [1] : vector<2048x16xf32> to vector<2048xf32>
    %broadcast_in_dim3A_84 = vector.shape_cast %reduce_sum3A_83 : vector<2048xf32> to vector<2048x1xf32>
    %reduce_sum3A_85 = arith.constant dense<0.000000e+00> : vector<16xf32>
    %reduce_sum3A_86 = vector.multi_reduction <add>, %convert_element_type3A_23, %reduce_sum3A_85 [0] : vector<2048x16xf32> to vector<16xf32>
    %broadcast_in_dim3A_87 = vector.shape_cast %reduce_sum3A_86 : vector<16xf32> to vector<1x16xf32>
    %div3A_88 = arith.constant 1.280000e+02 : f32
    %div3A_89 = vector.broadcast %div3A_88 : f32 to vector<1x16xf32>
    %div3A_90 = arith.divf %broadcast_in_dim3A_87, %div3A_89 : vector<1x16xf32>
    %ceil3A = math.ceil %div3A_90 : vector<1x16xf32>
    %mul3A_91 = arith.constant 1.280000e+02 : f32
    %mul3A_92 = vector.broadcast %mul3A_91 : f32 to vector<1x16xf32>
    %mul3A_93 = arith.mulf %ceil3A, %mul3A_92 : vector<1x16xf32>
    %iota3A_94 = tpu.iota {dimensions = array<i32: 0>} : vector<16x16xi32>
    %iota3A_95 = tpu.iota {dimensions = array<i32: 1>} : vector<16x16xi32>
    %lt3A = arith.cmpi slt, %iota3A_94, %iota3A_95 : vector<16x16xi32>
    %convert_element_type3A_96 = arith.extui %lt3A : vector<16x16xi1> to vector<16x16xi32>
    %convert_element_type3A_97 = arith.sitofp %convert_element_type3A_96 : vector<16x16xi32> to vector<16x16xf32>
    %dot_general3A_98 = arith.constant dense<0.000000e+00> : vector<1x16xf32>
    %dot_general3A_99 = tpu.matmul %mul3A_93, %convert_element_type3A_97, %dot_general3A_98 {dimension_numbers = #tpu.dot_dimension_numbers<[1], [0], [0], [1], [0, 0, 1, 1], [], []>, transpose_lhs_hint = false} : vector<1x16xf32>, vector<16x16xf32>, vector<1x16xf32> -> vector<1x16xf32>
    %mul3A_100 = vector.broadcast %dot_general3A_99 : vector<1x16xf32> to vector<2048x16xf32>
    %mul3A_101 = arith.mulf %convert_element_type3A_23, %mul3A_100 : vector<2048x16xf32>
    %reduce_sum3A_102 = arith.constant dense<0.000000e+00> : vector<2048xf32>
    %reduce_sum3A_103 = vector.multi_reduction <add>, %mul3A_101, %reduce_sum3A_102 [1] : vector<2048x16xf32> to vector<2048xf32>
    %broadcast_in_dim3A_104 = vector.shape_cast %reduce_sum3A_103 : vector<2048xf32> to vector<2048x1xf32>
    %add3A_105 = arith.addf %broadcast_in_dim3A_104, %broadcast_in_dim3A_84 : vector<2048x1xf32>
    %convert_element_type3A_106 = arith.fptosi %add3A_105 : vector<2048x1xf32> to vector<2048x1xi32>
    %swap3A = arith.constant 0 : index
    %swap3A_107 = arith.constant 0 : index
    %swap3A_108 = vector.load %arg3[%swap3A, %swap3A_107] : memref<2048x1xi32, #tpu.memory_space<vmem>>, vector<2048x1xi32>
    tpu.vector_store %arg3[%swap3A, %swap3A_107], %convert_element_type3A_106 {strides = array<i32>} : memref<2048x1xi32, #tpu.memory_space<vmem>>, vector<2048x1xi32>,
    %swap3A_109 = arith.constant 0 : index
    %swap3A_110 = arith.constant 0 : index
    %swap3A_111 = vector.load %arg4[%swap3A_109, %swap3A_110] : memref<2048x1xf32, #tpu.memory_space<vmem>>, vector<2048x1xf32>
    tpu.vector_store %arg4[%swap3A_109, %swap3A_110], %broadcast_in_dim3A_26 {strides = array<i32>} : memref<2048x1xf32, #tpu.memory_space<vmem>>, vector<2048x1xf32>,
    %reduce_sum3A_112 = vector.shape_cast %mul3A_93 : vector<1x16xf32> to vector<1x1x16xf32>
    %reduce_sum3A_113 = arith.constant dense<0.000000e+00> : vector<1xf32>
    %reduce_sum3A_114 = vector.multi_reduction <add>, %reduce_sum3A_112, %reduce_sum3A_113 [1, 2] : vector<1x1x16xf32> to vector<1xf32>
    %reduce_sum3A_115 = vector.shape_cast %reduce_sum3A_114 : vector<1xf32> to vector<1x1x1xf32>
    %reduce_sum3A_116 = vector.extract %reduce_sum3A_115[0, 0, 0] : f32 from vector<1x1x1xf32>
    %iota3A_117 = tpu.iota {dimensions = array<i32: 0>} : vector<32x16xi32>
    %convert_element_type3A_118 = arith.sitofp %iota3A_117 : vector<32x16xi32> to vector<32x16xf32>
    %mul3A_119 = arith.constant 1.280000e+02 : f32
    %mul3A_120 = vector.broadcast %mul3A_119 : f32 to vector<32x16xf32>
    %mul3A_121 = arith.mulf %convert_element_type3A_118, %mul3A_120 : vector<32x16xf32>
    %sub3A_122 = arith.constant 1.280000e+02 : f32
    %sub3A_123 = arith.subf %reduce_sum3A_116, %sub3A_122 : f32
    %min3A = vector.broadcast %sub3A_123 : f32 to vector<32x16xf32>
    %min3A_124 = arith.minimumf %mul3A_121, %min3A : vector<32x16xf32>
    %iota3A_125 = tpu.iota {dimensions = array<i32: 1>} : vector<32x16xi32>
    %convert_element_type3A_126 = arith.sitofp %iota3A_125 : vector<32x16xi32> to vector<32x16xf32>
    %le3A = vector.broadcast %dot_general3A_99 : vector<1x16xf32> to vector<32x16xf32>
    %le3A_127 = arith.cmpf ole, %le3A, %min3A_124 : vector<32x16xf32>
    %add3A_128 = arith.addf %dot_general3A_99, %mul3A_93 : vector<1x16xf32>
    %lt3A_129 = vector.broadcast %add3A_128 : vector<1x16xf32> to vector<32x16xf32>
    %lt3A_130 = arith.cmpf olt, %min3A_124, %lt3A_129 : vector<32x16xf32>
    %and3A = arith.andi %le3A_127, %lt3A_130 : vector<32x16xi1>
    %jit3A_131 = arith.constant 0.000000e+00 : f32
    %broadcast_in_dim3A_132 = vector.broadcast %jit3A_131 : f32 to vector<32x16xf32>
    %select_n3A_133 = arith.select %and3A, %convert_element_type3A_126, %broadcast_in_dim3A_132 : vector<32x16xi1>, vector<32x16xf32>
    %reduce_sum3A_134 = arith.constant dense<0.000000e+00> : vector<32xf32>
    %reduce_sum3A_135 = vector.multi_reduction <add>, %select_n3A_133, %reduce_sum3A_134 [1] : vector<32x16xf32> to vector<32xf32>
    %broadcast_in_dim3A_136 = vector.shape_cast %reduce_sum3A_135 : vector<32xf32> to vector<32x1xf32>
    %convert_element_type3A_137 = arith.fptosi %broadcast_in_dim3A_136 : vector<32x1xf32> to vector<32x1xi32>
    %swap3A_138 = arith.constant 0 : index
    %swap3A_139 = arith.constant 0 : index
    %swap3A_140 = vector.load %arg5[%swap3A_138, %swap3A_139] : memref<32x1xi32, #tpu.memory_space<vmem>>, vector<32x1xi32>
    tpu.vector_store %arg5[%swap3A_138, %swap3A_139], %convert_element_type3A_137 {strides = array<i32>} : memref<32x1xi32, #tpu.memory_space<vmem>>, vector<32x1xi32>,
    %slice3A_141 = vector.extract_strided_slice %mul3A_121 {offsets = [0, 0], sizes = [32, 1], strides = [1, 1]} : vector<32x16xf32> to vector<32x1xf32>
    %lt3A_142 = vector.broadcast %reduce_sum3A_116 : f32 to vector<32x1xf32>
    %lt3A_143 = arith.cmpf olt, %slice3A_141, %lt3A_142 : vector<32x1xf32>
    %convert_element_type3A_144 = arith.extui %lt3A_143 : vector<32x1xi1> to vector<32x1xi32>
    %swap3A_145 = arith.constant 0 : index
    %swap3A_146 = arith.constant 0 : index
    %swap3A_147 = vector.load %arg6[%swap3A_145, %swap3A_146] : memref<32x1xi32, #tpu.memory_space<vmem>>, vector<32x1xi32>
    tpu.vector_store %arg6[%swap3A_145, %swap3A_146], %convert_element_type3A_144 {strides = array<i32>} : memref<32x1xi32, #tpu.memory_space<vmem>>, vector<32x1xi32>,
    return
  }
}

module attributes {stable_mosaic.version = 14 : i64} {
  func.func @_ffn_body(%arg0: i32, %arg1: i32, %arg2: memref<32xi32, #tpu.memory_space<smem>>, %arg3: memref<32xi32, #tpu.memory_space<smem>>, %arg4: memref<128x1024xf32, #tpu.memory_space<vmem>>, %arg5: memref<1x2048x1024xf32, #tpu.memory_space<vmem>>, %arg6: memref<1x2048x1024xf32, #tpu.memory_space<vmem>>, %arg7: memref<1x1024x512xf32, #tpu.memory_space<vmem>>, %arg8: memref<1x1x2048xf32, #tpu.memory_space<vmem>>, %arg9: memref<1x1x2048xf32, #tpu.memory_space<vmem>>, %arg10: memref<1x1x1024xf32, #tpu.memory_space<vmem>>, %arg11: memref<1024x512xf32, #tpu.memory_space<vmem>>, %arg12: memref<128x1024xf32, #tpu.memory_space<vmem>>) attributes {dimension_semantics = [#tpu.dimension_semantics<arbitrary>, #tpu.dimension_semantics<arbitrary>], iteration_bounds = array<i64: 32, 2>, scalar_prefetch = 2 : i64, scratch_operands = 0 : i64, tpu.core_type = #tpu.core_type<tc>, window_params = [{transform_indices = @transform_0, window_bounds = array<i64: 128, 1024>}, {transform_indices = @transform_1, window_bounds = array<i64: 1, 2048, 1024>}, {transform_indices = @transform_2, window_bounds = array<i64: 1, 2048, 1024>}, {transform_indices = @transform_3, window_bounds = array<i64: 1, 1024, 512>}, {transform_indices = @transform_4, window_bounds = array<i64: 1, 1, 2048>}, {transform_indices = @transform_5, window_bounds = array<i64: 1, 1, 2048>}, {transform_indices = @transform_6, window_bounds = array<i64: 1, 1, 1024>}, {pipeline_mode = #tpu.pipeline_mode<synchronous>, transform_indices = @transform_7, window_bounds = array<i64: 1024, 512>}, {transform_indices = @transform_8, window_bounds = array<i64: 128, 1024>}]} {
    %get3A = arith.index_cast %arg0 : i32 to index
    %get3A_0 = memref.load %arg3[%get3A] : memref<32xi32, #tpu.memory_space<smem>>
    %gt3A = arith.constant 0 : i32
    %gt3A_1 = arith.cmpi sgt, %get3A_0, %gt3A : i32
    %convert_element_type3A = arith.extui %gt3A_1 : i1 to i32
    %cond3A = arith.constant 0 : i32
    %cond3A_2 = arith.cmpi ne, %convert_element_type3A, %cond3A : i32
    scf.if %cond3A_2 {
      %get3A_3 = arith.constant 0 : index
      %get3A_4 = arith.constant 0 : index
      %get3A_5 = vector.load %arg4[%get3A_3, %get3A_4] : memref<128x1024xf32, #tpu.memory_space<vmem>>, vector<128x1024xf32>
      %mul3A = arith.constant 1024 : i32
      %mul3A_6 = arith.muli %arg1, %mul3A : i32
      %get3A_7 = arith.constant 0 : index
      %get3A_8 = arith.index_cast %mul3A_6 : i32 to index
      %get3A_9 = arith.constant 0 : index
      %get3A_10 = vector.load %arg5[%get3A_7, %get3A_8, %get3A_9] : memref<1x2048x1024xf32, #tpu.memory_space<vmem>>, vector<1x1024x1024xf32>
      %get3A_11 = vector.shape_cast %get3A_10 : vector<1x1024x1024xf32> to vector<1024x1024xf32>
      %mul3A_12 = arith.constant 1024 : i32
      %mul3A_13 = arith.muli %arg1, %mul3A_12 : i32
      %get3A_14 = arith.constant 0 : index
      %get3A_15 = arith.index_cast %mul3A_13 : i32 to index
      %get3A_16 = arith.constant 0 : index
      %get3A_17 = vector.load %arg6[%get3A_14, %get3A_15, %get3A_16] : memref<1x2048x1024xf32, #tpu.memory_space<vmem>>, vector<1x1024x1024xf32>
      %get3A_18 = vector.shape_cast %get3A_17 : vector<1x1024x1024xf32> to vector<1024x1024xf32>
      %convert_element_type3A_19 = arith.truncf %get3A_5 : vector<128x1024xf32> to vector<128x1024xbf16>
      %convert_element_type3A_20 = arith.truncf %get3A_11 : vector<1024x1024xf32> to vector<1024x1024xbf16>
      %dot_general3A = arith.constant dense<0.000000e+00> : vector<128x1024xf32>
      %dot_general3A_21 = tpu.matmul %convert_element_type3A_19, %convert_element_type3A_20, %dot_general3A {dimension_numbers = #tpu.dot_dimension_numbers<[1], [1], [0], [0], [0, 0, 1, 0], [], []>, transpose_lhs_hint = false} : vector<128x1024xbf16>, vector<1024x1024xbf16>, vector<128x1024xf32> -> vector<128x1024xf32>
      %mul3A_22 = arith.constant 1024 : i32
      %mul3A_23 = arith.muli %arg1, %mul3A_22 : i32
      %get3A_24 = arith.constant 0 : index
      %get3A_25 = arith.constant 0 : index
      %get3A_26 = arith.index_cast %mul3A_23 : i32 to index
      %get3A_27 = vector.load %arg8[%get3A_24, %get3A_25, %get3A_26] : memref<1x1x2048xf32, #tpu.memory_space<vmem>>, vector<1x1x1024xf32>
      %get3A_28 = vector.shape_cast %get3A_27 : vector<1x1x1024xf32> to vector<1x1024xf32>
      %add3A = vector.broadcast %get3A_28 : vector<1x1024xf32> to vector<128x1024xf32>
      %add3A_29 = arith.addf %dot_general3A_21, %add3A : vector<128x1024xf32>
      %convert_element_type3A_30 = arith.truncf %get3A_5 : vector<128x1024xf32> to vector<128x1024xbf16>
      %convert_element_type3A_31 = arith.truncf %get3A_18 : vector<1024x1024xf32> to vector<1024x1024xbf16>
      %dot_general3A_32 = arith.constant dense<0.000000e+00> : vector<128x1024xf32>
      %dot_general3A_33 = tpu.matmul %convert_element_type3A_30, %convert_element_type3A_31, %dot_general3A_32 {dimension_numbers = #tpu.dot_dimension_numbers<[1], [1], [0], [0], [0, 0, 1, 0], [], []>, transpose_lhs_hint = false} : vector<128x1024xbf16>, vector<1024x1024xbf16>, vector<128x1024xf32> -> vector<128x1024xf32>
      %mul3A_34 = arith.constant 1024 : i32
      %mul3A_35 = arith.muli %arg1, %mul3A_34 : i32
      %get3A_36 = arith.constant 0 : index
      %get3A_37 = arith.constant 0 : index
      %get3A_38 = arith.index_cast %mul3A_35 : i32 to index
      %get3A_39 = vector.load %arg9[%get3A_36, %get3A_37, %get3A_38] : memref<1x1x2048xf32, #tpu.memory_space<vmem>>, vector<1x1x1024xf32>
      %get3A_40 = vector.shape_cast %get3A_39 : vector<1x1x1024xf32> to vector<1x1024xf32>
      %add3A_41 = vector.broadcast %get3A_40 : vector<1x1024xf32> to vector<128x1024xf32>
      %add3A_42 = arith.addf %dot_general3A_33, %add3A_41 : vector<128x1024xf32>
      %mul3A_43 = arith.mulf %add3A_29, %add3A_42 : vector<128x1024xf32>
      %iota3A = tpu.iota {dimensions = array<i32: 1>} : vector<128x1024xi32>
      %min3A = arith.constant 7.000000e+00 : f32
      %min3A_44 = vector.broadcast %min3A : f32 to vector<128x1024xf32>
      %min3A_45 = arith.minimumf %mul3A_43, %min3A_44 : vector<128x1024xf32>
      %mul3A_46 = arith.constant 1.702000e+00 : f32
      %mul3A_47 = vector.broadcast %mul3A_46 : f32 to vector<128x1024xf32>
      %mul3A_48 = arith.mulf %mul3A_47, %min3A_45 : vector<128x1024xf32>
      %neg3A = arith.constant 0.000000e+00 : f32
      %neg3A_49 = vector.broadcast %neg3A : f32 to vector<128x1024xf32>
      %neg3A_50 = arith.subf %neg3A_49, %mul3A_48 : vector<128x1024xf32>
      %exp3A = math.exp %neg3A_50 : vector<128x1024xf32>
      %add3A_51 = arith.constant 1.000000e+00 : f32
      %add3A_52 = vector.broadcast %add3A_51 : f32 to vector<128x1024xf32>
      %add3A_53 = arith.addf %add3A_52, %exp3A : vector<128x1024xf32>
      %div3A = arith.constant 1.000000e+00 : f32
      %div3A_54 = vector.broadcast %div3A : f32 to vector<128x1024xf32>
      %div3A_55 = arith.divf %div3A_54, %add3A_53 : vector<128x1024xf32>
      %mul3A_56 = arith.mulf %min3A_45, %div3A_55 : vector<128x1024xf32>
      %jit3A = arith.constant -7.000000e+00 : f32
      %jit3A_57 = arith.constant 7.000000e+00 : f32
      %max3A = vector.broadcast %jit3A : f32 to vector<128x1024xf32>
      %max3A_58 = arith.maximumf %max3A, %mul3A_43 : vector<128x1024xf32>
      %min3A_59 = vector.broadcast %jit3A_57 : f32 to vector<128x1024xf32>
      %min3A_60 = arith.minimumf %min3A_59, %max3A_58 : vector<128x1024xf32>
      %add3A_61 = arith.constant 1.000000e+00 : f32
      %add3A_62 = vector.broadcast %add3A_61 : f32 to vector<128x1024xf32>
      %add3A_63 = arith.addf %min3A_60, %add3A_62 : vector<128x1024xf32>
      %jit3A_64 = arith.constant 2 : i32
      %eq3A = arith.constant 0 : i32
      %eq3A_65 = arith.cmpi eq, %jit3A_64, %eq3A : i32
      %jit3A_66 = arith.constant 1 : i32
      %select_n3A = arith.select %eq3A_65, %jit3A_66, %jit3A_64 : i32
      %rem3A = vector.broadcast %select_n3A : i32 to vector<128x1024xi32>
      %rem3A_67 = arith.remsi %iota3A, %rem3A : vector<128x1024xi32>
      %ne3A = arith.constant 0 : i32
      %ne3A_68 = vector.broadcast %ne3A : i32 to vector<128x1024xi32>
      %ne3A_69 = arith.cmpi ne, %rem3A_67, %ne3A_68 : vector<128x1024xi32>
      %lt3A = arith.constant 0 : i32
      %lt3A_70 = vector.broadcast %lt3A : i32 to vector<128x1024xi32>
      %lt3A_71 = arith.cmpi slt, %rem3A_67, %lt3A_70 : vector<128x1024xi32>
      %lt3A_72 = arith.constant 0 : i32
      %lt3A_73 = arith.cmpi slt, %select_n3A, %lt3A_72 : i32
      %ne3A_74 = vector.broadcast %lt3A_73 : i1 to vector<128x1024xi1>
      %ne3A_75 = vector.broadcast %ne3A_74 : vector<128x1024xi1> to vector<128x1024xi1>
      %ne3A_76 = arith.xori %lt3A_71, %ne3A_75 : vector<128x1024xi1>
      %and3A = arith.andi %ne3A_76, %ne3A_69 : vector<128x1024xi1>
      %add3A_77 = vector.broadcast %select_n3A : i32 to vector<128x1024xi32>
      %add3A_78 = arith.addi %rem3A_67, %add3A_77 : vector<128x1024xi32>
      %select_n3A_79 = arith.select %and3A, %add3A_78, %rem3A_67 : vector<128x1024xi1>, vector<128x1024xi32>
      %eq3A_80 = arith.constant 0 : i32
      %eq3A_81 = vector.broadcast %eq3A_80 : i32 to vector<128x1024xi32>
      %eq3A_82 = arith.cmpi eq, %select_n3A_79, %eq3A_81 : vector<128x1024xi32>
      %select_n3A_83 = arith.select %eq3A_82, %mul3A_56, %add3A_63 : vector<128x1024xi1>, vector<128x1024xf32>
      %roll3A = arith.constant 1 : i32
      %roll3A_84 = tpu.dynamic_rotate %select_n3A_83 by %roll3A dim 1 : vector<128x1024xf32>, i32 -> vector<128x1024xf32>
      %mul3A_85 = arith.mulf %select_n3A_83, %roll3A_84 : vector<128x1024xf32>
      %get3A_86 = arith.constant 0 : index
      %get3A_87 = arith.constant 0 : index
      %get3A_88 = vector.load %arg11[%get3A_86, %get3A_87] : memref<1024x512xf32, #tpu.memory_space<vmem>>, vector<1024x512xf32>
      %convert_element_type3A_89 = arith.truncf %mul3A_85 : vector<128x1024xf32> to vector<128x1024xbf16>
      %convert_element_type3A_90 = arith.truncf %get3A_88 : vector<1024x512xf32> to vector<1024x512xbf16>
      %dot_general3A_91 = arith.constant dense<0.000000e+00> : vector<128x512xf32>
      %dot_general3A_92 = tpu.matmul %convert_element_type3A_89, %convert_element_type3A_90, %dot_general3A_91 {dimension_numbers = #tpu.dot_dimension_numbers<[1], [0], [0], [1], [0, 0, 1, 1], [], []>, transpose_lhs_hint = false} : vector<128x1024xbf16>, vector<1024x512xbf16>, vector<128x512xf32> -> vector<128x512xf32>
      %get3A_93 = arith.constant 0 : index
      %get3A_94 = arith.constant 0 : index
      %get3A_95 = arith.constant 0 : index
      %get3A_96 = vector.load %arg7[%get3A_93, %get3A_94, %get3A_95] : memref<1x1024x512xf32, #tpu.memory_space<vmem>>, vector<1x1024x512xf32>
      %get3A_97 = vector.shape_cast %get3A_96 : vector<1x1024x512xf32> to vector<1024x512xf32>
      %convert_element_type3A_98 = arith.truncf %dot_general3A_92 : vector<128x512xf32> to vector<128x512xbf16>
      %convert_element_type3A_99 = arith.truncf %get3A_97 : vector<1024x512xf32> to vector<1024x512xbf16>
      %dot_general3A_100 = arith.constant dense<0.000000e+00> : vector<128x1024xf32>
      %dot_general3A_101 = tpu.matmul %convert_element_type3A_98, %convert_element_type3A_99, %dot_general3A_100 {dimension_numbers = #tpu.dot_dimension_numbers<[1], [1], [0], [0], [0, 0, 1, 0], [], []>, transpose_lhs_hint = false} : vector<128x512xbf16>, vector<1024x512xbf16>, vector<128x1024xf32> -> vector<128x1024xf32>
      %eq3A_102 = arith.constant 0 : i32
      %eq3A_103 = arith.cmpi eq, %arg1, %eq3A_102 : i32
      %convert_element_type3A_104 = arith.extui %eq3A_103 : i1 to i32
      %cond3A_105 = arith.constant 0 : i32
      %cond3A_106 = arith.cmpi ne, %convert_element_type3A_104, %cond3A_105 : i32
      scf.if %cond3A_106 {
        %get3A_112 = arith.constant 0 : index
        %get3A_113 = arith.constant 0 : index
        %get3A_114 = arith.constant 0 : index
        %get3A_115 = vector.load %arg10[%get3A_112, %get3A_113, %get3A_114] : memref<1x1x1024xf32, #tpu.memory_space<vmem>>, vector<1x1x1024xf32>
        %get3A_116 = vector.shape_cast %get3A_115 : vector<1x1x1024xf32> to vector<1x1024xf32>
        %add3A_117 = vector.broadcast %get3A_116 : vector<1x1024xf32> to vector<128x1024xf32>
        %add3A_118 = arith.addf %dot_general3A_101, %add3A_117 : vector<128x1024xf32>
        %swap3A = arith.constant 0 : index
        %swap3A_119 = arith.constant 0 : index
        %swap3A_120 = vector.load %arg12[%swap3A, %swap3A_119] : memref<128x1024xf32, #tpu.memory_space<vmem>>, vector<128x1024xf32>
        tpu.vector_store %arg12[%swap3A, %swap3A_119], %add3A_118 {strides = array<i32>} : memref<128x1024xf32, #tpu.memory_space<vmem>>, vector<128x1024xf32>,
      } else {
      }
      %gt3A_107 = arith.constant 0 : i32
      %gt3A_108 = arith.cmpi sgt, %arg1, %gt3A_107 : i32
      %convert_element_type3A_109 = arith.extui %gt3A_108 : i1 to i32
      %cond3A_110 = arith.constant 0 : i32
      %cond3A_111 = arith.cmpi ne, %convert_element_type3A_109, %cond3A_110 : i32
      scf.if %cond3A_111 {
        %get3A_112 = arith.constant 0 : index
        %get3A_113 = arith.constant 0 : index
        %get3A_114 = vector.load %arg12[%get3A_112, %get3A_113] : memref<128x1024xf32, #tpu.memory_space<vmem>>, vector<128x1024xf32>
        %add3A_115 = arith.addf %get3A_114, %dot_general3A_101 : vector<128x1024xf32>
        %swap3A = arith.constant 0 : index
        %swap3A_116 = arith.constant 0 : index
        %swap3A_117 = vector.load %arg12[%swap3A, %swap3A_116] : memref<128x1024xf32, #tpu.memory_space<vmem>>, vector<128x1024xf32>
        tpu.vector_store %arg12[%swap3A, %swap3A_116], %add3A_115 {strides = array<i32>} : memref<128x1024xf32, #tpu.memory_space<vmem>>, vector<128x1024xf32>,
      } else {
      }
    } else {
    }
    return
  }
  func.func @transform_0(%arg0: i32, %arg1: i32, %arg2: memref<32xi32, #tpu.memory_space<smem>>, %arg3: memref<32xi32, #tpu.memory_space<smem>>) -> (i32, i32) {
    %c0_i32 = arith.constant 0 : i32
    %c0_i32_0 = arith.constant 0 : i32
    return %arg0, %c0_i32 : i32, i32
  }
  func.func @transform_1(%arg0: i32, %arg1: i32, %arg2: memref<32xi32, #tpu.memory_space<smem>>, %arg3: memref<32xi32, #tpu.memory_space<smem>>) -> (i32, i32, i32) {
    %get3A = arith.index_cast %arg0 : i32 to index
    %get3A_0 = memref.load %arg2[%get3A] : memref<32xi32, #tpu.memory_space<smem>>
    %c0_i32 = arith.constant 0 : i32
    %c0_i32_1 = arith.constant 0 : i32
    %c0_i32_2 = arith.constant 0 : i32
    return %get3A_0, %c0_i32, %c0_i32_1 : i32, i32, i32
  }
  func.func @transform_2(%arg0: i32, %arg1: i32, %arg2: memref<32xi32, #tpu.memory_space<smem>>, %arg3: memref<32xi32, #tpu.memory_space<smem>>) -> (i32, i32, i32) {
    %get3A = arith.index_cast %arg0 : i32 to index
    %get3A_0 = memref.load %arg2[%get3A] : memref<32xi32, #tpu.memory_space<smem>>
    %c0_i32 = arith.constant 0 : i32
    %c0_i32_1 = arith.constant 0 : i32
    %c0_i32_2 = arith.constant 0 : i32
    return %get3A_0, %c0_i32, %c0_i32_1 : i32, i32, i32
  }
  func.func @transform_3(%arg0: i32, %arg1: i32, %arg2: memref<32xi32, #tpu.memory_space<smem>>, %arg3: memref<32xi32, #tpu.memory_space<smem>>) -> (i32, i32, i32) {
    %get3A = arith.index_cast %arg0 : i32 to index
    %get3A_0 = memref.load %arg2[%get3A] : memref<32xi32, #tpu.memory_space<smem>>
    %c0_i32 = arith.constant 0 : i32
    %c0_i32_1 = arith.constant 0 : i32
    return %get3A_0, %c0_i32, %arg1 : i32, i32, i32
  }
  func.func @transform_4(%arg0: i32, %arg1: i32, %arg2: memref<32xi32, #tpu.memory_space<smem>>, %arg3: memref<32xi32, #tpu.memory_space<smem>>) -> (i32, i32, i32) {
    %get3A = arith.index_cast %arg0 : i32 to index
    %get3A_0 = memref.load %arg2[%get3A] : memref<32xi32, #tpu.memory_space<smem>>
    %c0_i32 = arith.constant 0 : i32
    %c0_i32_1 = arith.constant 0 : i32
    %c0_i32_2 = arith.constant 0 : i32
    return %get3A_0, %c0_i32, %c0_i32_1 : i32, i32, i32
  }
  func.func @transform_5(%arg0: i32, %arg1: i32, %arg2: memref<32xi32, #tpu.memory_space<smem>>, %arg3: memref<32xi32, #tpu.memory_space<smem>>) -> (i32, i32, i32) {
    %get3A = arith.index_cast %arg0 : i32 to index
    %get3A_0 = memref.load %arg2[%get3A] : memref<32xi32, #tpu.memory_space<smem>>
    %c0_i32 = arith.constant 0 : i32
    %c0_i32_1 = arith.constant 0 : i32
    %c0_i32_2 = arith.constant 0 : i32
    return %get3A_0, %c0_i32, %c0_i32_1 : i32, i32, i32
  }
  func.func @transform_6(%arg0: i32, %arg1: i32, %arg2: memref<32xi32, #tpu.memory_space<smem>>, %arg3: memref<32xi32, #tpu.memory_space<smem>>) -> (i32, i32, i32) {
    %get3A = arith.index_cast %arg0 : i32 to index
    %get3A_0 = memref.load %arg2[%get3A] : memref<32xi32, #tpu.memory_space<smem>>
    %c0_i32 = arith.constant 0 : i32
    %c0_i32_1 = arith.constant 0 : i32
    %c0_i32_2 = arith.constant 0 : i32
    return %get3A_0, %c0_i32, %c0_i32_1 : i32, i32, i32
  }
  func.func @transform_7(%arg0: i32, %arg1: i32, %arg2: memref<32xi32, #tpu.memory_space<smem>>, %arg3: memref<32xi32, #tpu.memory_space<smem>>) -> (i32, i32) {
    %c0_i32 = arith.constant 0 : i32
    %c0_i32_0 = arith.constant 0 : i32
    %c0_i32_1 = arith.constant 0 : i32
    return %c0_i32, %c0_i32_0 : i32, i32
  }
  func.func @transform_8(%arg0: i32, %arg1: i32, %arg2: memref<32xi32, #tpu.memory_space<smem>>, %arg3: memref<32xi32, #tpu.memory_space<smem>>) -> (i32, i32) {
    %c0_i32 = arith.constant 0 : i32
    %c0_i32_0 = arith.constant 0 : i32
    return %arg0, %c0_i32 : i32, i32
  }
}

module attributes {stable_mosaic.version = 14 : i64} {
  func.func @_shared_body(%arg0: i32, %arg1: i32, %arg2: memref<256x1024xf32, #tpu.memory_space<vmem>>, %arg3: memref<256x1024xf32, #tpu.memory_space<vmem>>, %arg4: memref<256x1xf32, #tpu.memory_space<vmem>>, %arg5: memref<2048x1024xf32, #tpu.memory_space<vmem>>, %arg6: memref<2048x1024xf32, #tpu.memory_space<vmem>>, %arg7: memref<1024x512xf32, #tpu.memory_space<vmem>>, %arg8: memref<1x2048xf32, #tpu.memory_space<vmem>>, %arg9: memref<1x2048xf32, #tpu.memory_space<vmem>>, %arg10: memref<1x1024xf32, #tpu.memory_space<vmem>>, %arg11: memref<1024x512xf32, #tpu.memory_space<vmem>>, %arg12: memref<256x1024xf32, #tpu.memory_space<vmem>>) attributes {dimension_semantics = [#tpu.dimension_semantics<arbitrary>, #tpu.dimension_semantics<arbitrary>], iteration_bounds = array<i64: 8, 2>, scalar_prefetch = 0 : i64, scratch_operands = 0 : i64, tpu.core_type = #tpu.core_type<tc>, window_params = [{transform_indices = @transform_0, window_bounds = array<i64: 256, 1024>}, {transform_indices = @transform_1, window_bounds = array<i64: 256, 1024>}, {transform_indices = @transform_2, window_bounds = array<i64: 256, 1>}, {pipeline_mode = #tpu.pipeline_mode<synchronous>, transform_indices = @transform_3, window_bounds = array<i64: 2048, 1024>}, {pipeline_mode = #tpu.pipeline_mode<synchronous>, transform_indices = @transform_4, window_bounds = array<i64: 2048, 1024>}, {transform_indices = @transform_5, window_bounds = array<i64: 1024, 512>}, {pipeline_mode = #tpu.pipeline_mode<synchronous>, transform_indices = @transform_6, window_bounds = array<i64: 1, 2048>}, {pipeline_mode = #tpu.pipeline_mode<synchronous>, transform_indices = @transform_7, window_bounds = array<i64: 1, 2048>}, {pipeline_mode = #tpu.pipeline_mode<synchronous>, transform_indices = @transform_8, window_bounds = array<i64: 1, 1024>}, {pipeline_mode = #tpu.pipeline_mode<synchronous>, transform_indices = @transform_9, window_bounds = array<i64: 1024, 512>}, {transform_indices = @transform_10, window_bounds = array<i64: 256, 1024>}]} {
    %get3A = arith.constant 0 : index
    %get3A_0 = arith.constant 0 : index
    %get3A_1 = vector.load %arg2[%get3A, %get3A_0] : memref<256x1024xf32, #tpu.memory_space<vmem>>, vector<256x1024xf32>
    %mul3A = arith.constant 1024 : i32
    %mul3A_2 = arith.muli %arg1, %mul3A : i32
    %get3A_3 = arith.index_cast %mul3A_2 : i32 to index
    %get3A_4 = arith.constant 0 : index
    %get3A_5 = vector.load %arg5[%get3A_3, %get3A_4] : memref<2048x1024xf32, #tpu.memory_space<vmem>>, vector<1024x1024xf32>
    %mul3A_6 = arith.constant 1024 : i32
    %mul3A_7 = arith.muli %arg1, %mul3A_6 : i32
    %get3A_8 = arith.index_cast %mul3A_7 : i32 to index
    %get3A_9 = arith.constant 0 : index
    %get3A_10 = vector.load %arg6[%get3A_8, %get3A_9] : memref<2048x1024xf32, #tpu.memory_space<vmem>>, vector<1024x1024xf32>
    %convert_element_type3A = arith.truncf %get3A_1 : vector<256x1024xf32> to vector<256x1024xbf16>
    %convert_element_type3A_11 = arith.truncf %get3A_5 : vector<1024x1024xf32> to vector<1024x1024xbf16>
    %dot_general3A = arith.constant dense<0.000000e+00> : vector<256x1024xf32>
    %dot_general3A_12 = tpu.matmul %convert_element_type3A, %convert_element_type3A_11, %dot_general3A {dimension_numbers = #tpu.dot_dimension_numbers<[1], [1], [0], [0], [0, 0, 1, 0], [], []>, transpose_lhs_hint = false} : vector<256x1024xbf16>, vector<1024x1024xbf16>, vector<256x1024xf32> -> vector<256x1024xf32>
    %mul3A_13 = arith.constant 1024 : i32
    %mul3A_14 = arith.muli %arg1, %mul3A_13 : i32
    %get3A_15 = arith.constant 0 : index
    %get3A_16 = arith.index_cast %mul3A_14 : i32 to index
    %get3A_17 = vector.load %arg8[%get3A_15, %get3A_16] : memref<1x2048xf32, #tpu.memory_space<vmem>>, vector<1x1024xf32>
    %add3A = vector.broadcast %get3A_17 : vector<1x1024xf32> to vector<256x1024xf32>
    %add3A_18 = arith.addf %dot_general3A_12, %add3A : vector<256x1024xf32>
    %convert_element_type3A_19 = arith.truncf %get3A_1 : vector<256x1024xf32> to vector<256x1024xbf16>
    %convert_element_type3A_20 = arith.truncf %get3A_10 : vector<1024x1024xf32> to vector<1024x1024xbf16>
    %dot_general3A_21 = arith.constant dense<0.000000e+00> : vector<256x1024xf32>
    %dot_general3A_22 = tpu.matmul %convert_element_type3A_19, %convert_element_type3A_20, %dot_general3A_21 {dimension_numbers = #tpu.dot_dimension_numbers<[1], [1], [0], [0], [0, 0, 1, 0], [], []>, transpose_lhs_hint = false} : vector<256x1024xbf16>, vector<1024x1024xbf16>, vector<256x1024xf32> -> vector<256x1024xf32>
    %mul3A_23 = arith.constant 1024 : i32
    %mul3A_24 = arith.muli %arg1, %mul3A_23 : i32
    %get3A_25 = arith.constant 0 : index
    %get3A_26 = arith.index_cast %mul3A_24 : i32 to index
    %get3A_27 = vector.load %arg9[%get3A_25, %get3A_26] : memref<1x2048xf32, #tpu.memory_space<vmem>>, vector<1x1024xf32>
    %add3A_28 = vector.broadcast %get3A_27 : vector<1x1024xf32> to vector<256x1024xf32>
    %add3A_29 = arith.addf %dot_general3A_22, %add3A_28 : vector<256x1024xf32>
    %mul3A_30 = arith.mulf %add3A_18, %add3A_29 : vector<256x1024xf32>
    %iota3A = tpu.iota {dimensions = array<i32: 1>} : vector<256x1024xi32>
    %min3A = arith.constant 7.000000e+00 : f32
    %min3A_31 = vector.broadcast %min3A : f32 to vector<256x1024xf32>
    %min3A_32 = arith.minimumf %mul3A_30, %min3A_31 : vector<256x1024xf32>
    %mul3A_33 = arith.constant 1.702000e+00 : f32
    %mul3A_34 = vector.broadcast %mul3A_33 : f32 to vector<256x1024xf32>
    %mul3A_35 = arith.mulf %mul3A_34, %min3A_32 : vector<256x1024xf32>
    %neg3A = arith.constant 0.000000e+00 : f32
    %neg3A_36 = vector.broadcast %neg3A : f32 to vector<256x1024xf32>
    %neg3A_37 = arith.subf %neg3A_36, %mul3A_35 : vector<256x1024xf32>
    %exp3A = math.exp %neg3A_37 : vector<256x1024xf32>
    %add3A_38 = arith.constant 1.000000e+00 : f32
    %add3A_39 = vector.broadcast %add3A_38 : f32 to vector<256x1024xf32>
    %add3A_40 = arith.addf %add3A_39, %exp3A : vector<256x1024xf32>
    %div3A = arith.constant 1.000000e+00 : f32
    %div3A_41 = vector.broadcast %div3A : f32 to vector<256x1024xf32>
    %div3A_42 = arith.divf %div3A_41, %add3A_40 : vector<256x1024xf32>
    %mul3A_43 = arith.mulf %min3A_32, %div3A_42 : vector<256x1024xf32>
    %jit3A = arith.constant -7.000000e+00 : f32
    %jit3A_44 = arith.constant 7.000000e+00 : f32
    %max3A = vector.broadcast %jit3A : f32 to vector<256x1024xf32>
    %max3A_45 = arith.maximumf %max3A, %mul3A_30 : vector<256x1024xf32>
    %min3A_46 = vector.broadcast %jit3A_44 : f32 to vector<256x1024xf32>
    %min3A_47 = arith.minimumf %min3A_46, %max3A_45 : vector<256x1024xf32>
    %add3A_48 = arith.constant 1.000000e+00 : f32
    %add3A_49 = vector.broadcast %add3A_48 : f32 to vector<256x1024xf32>
    %add3A_50 = arith.addf %min3A_47, %add3A_49 : vector<256x1024xf32>
    %jit3A_51 = arith.constant 2 : i32
    %eq3A = arith.constant 0 : i32
    %eq3A_52 = arith.cmpi eq, %jit3A_51, %eq3A : i32
    %jit3A_53 = arith.constant 1 : i32
    %select_n3A = arith.select %eq3A_52, %jit3A_53, %jit3A_51 : i32
    %rem3A = vector.broadcast %select_n3A : i32 to vector<256x1024xi32>
    %rem3A_54 = arith.remsi %iota3A, %rem3A : vector<256x1024xi32>
    %ne3A = arith.constant 0 : i32
    %ne3A_55 = vector.broadcast %ne3A : i32 to vector<256x1024xi32>
    %ne3A_56 = arith.cmpi ne, %rem3A_54, %ne3A_55 : vector<256x1024xi32>
    %lt3A = arith.constant 0 : i32
    %lt3A_57 = vector.broadcast %lt3A : i32 to vector<256x1024xi32>
    %lt3A_58 = arith.cmpi slt, %rem3A_54, %lt3A_57 : vector<256x1024xi32>
    %lt3A_59 = arith.constant 0 : i32
    %lt3A_60 = arith.cmpi slt, %select_n3A, %lt3A_59 : i32
    %ne3A_61 = vector.broadcast %lt3A_60 : i1 to vector<256x1024xi1>
    %ne3A_62 = vector.broadcast %ne3A_61 : vector<256x1024xi1> to vector<256x1024xi1>
    %ne3A_63 = arith.xori %lt3A_58, %ne3A_62 : vector<256x1024xi1>
    %and3A = arith.andi %ne3A_63, %ne3A_56 : vector<256x1024xi1>
    %add3A_64 = vector.broadcast %select_n3A : i32 to vector<256x1024xi32>
    %add3A_65 = arith.addi %rem3A_54, %add3A_64 : vector<256x1024xi32>
    %select_n3A_66 = arith.select %and3A, %add3A_65, %rem3A_54 : vector<256x1024xi1>, vector<256x1024xi32>
    %eq3A_67 = arith.constant 0 : i32
    %eq3A_68 = vector.broadcast %eq3A_67 : i32 to vector<256x1024xi32>
    %eq3A_69 = arith.cmpi eq, %select_n3A_66, %eq3A_68 : vector<256x1024xi32>
    %select_n3A_70 = arith.select %eq3A_69, %mul3A_43, %add3A_50 : vector<256x1024xi1>, vector<256x1024xf32>
    %roll3A = arith.constant 1 : i32
    %roll3A_71 = tpu.dynamic_rotate %select_n3A_70 by %roll3A dim 1 : vector<256x1024xf32>, i32 -> vector<256x1024xf32>
    %mul3A_72 = arith.mulf %select_n3A_70, %roll3A_71 : vector<256x1024xf32>
    %get3A_73 = arith.constant 0 : index
    %get3A_74 = arith.constant 0 : index
    %get3A_75 = vector.load %arg11[%get3A_73, %get3A_74] : memref<1024x512xf32, #tpu.memory_space<vmem>>, vector<1024x512xf32>
    %convert_element_type3A_76 = arith.truncf %mul3A_72 : vector<256x1024xf32> to vector<256x1024xbf16>
    %convert_element_type3A_77 = arith.truncf %get3A_75 : vector<1024x512xf32> to vector<1024x512xbf16>
    %dot_general3A_78 = arith.constant dense<0.000000e+00> : vector<256x512xf32>
    %dot_general3A_79 = tpu.matmul %convert_element_type3A_76, %convert_element_type3A_77, %dot_general3A_78 {dimension_numbers = #tpu.dot_dimension_numbers<[1], [0], [0], [1], [0, 0, 1, 1], [], []>, transpose_lhs_hint = false} : vector<256x1024xbf16>, vector<1024x512xbf16>, vector<256x512xf32> -> vector<256x512xf32>
    %get3A_80 = arith.constant 0 : index
    %get3A_81 = arith.constant 0 : index
    %get3A_82 = vector.load %arg7[%get3A_80, %get3A_81] : memref<1024x512xf32, #tpu.memory_space<vmem>>, vector<1024x512xf32>
    %convert_element_type3A_83 = arith.truncf %dot_general3A_79 : vector<256x512xf32> to vector<256x512xbf16>
    %convert_element_type3A_84 = arith.truncf %get3A_82 : vector<1024x512xf32> to vector<1024x512xbf16>
    %dot_general3A_85 = arith.constant dense<0.000000e+00> : vector<256x1024xf32>
    %dot_general3A_86 = tpu.matmul %convert_element_type3A_83, %convert_element_type3A_84, %dot_general3A_85 {dimension_numbers = #tpu.dot_dimension_numbers<[1], [1], [0], [0], [0, 0, 1, 0], [], []>, transpose_lhs_hint = false} : vector<256x512xbf16>, vector<1024x512xbf16>, vector<256x1024xf32> -> vector<256x1024xf32>
    %eq3A_87 = arith.constant 0 : i32
    %eq3A_88 = arith.cmpi eq, %arg1, %eq3A_87 : i32
    %convert_element_type3A_89 = arith.extui %eq3A_88 : i1 to i32
    %cond3A = arith.constant 0 : i32
    %cond3A_90 = arith.cmpi ne, %convert_element_type3A_89, %cond3A : i32
    scf.if %cond3A_90 {
      %get3A_95 = arith.constant 0 : index
      %get3A_96 = arith.constant 0 : index
      %get3A_97 = vector.load %arg10[%get3A_95, %get3A_96] : memref<1x1024xf32, #tpu.memory_space<vmem>>, vector<1x1024xf32>
      %add3A_98 = vector.broadcast %get3A_97 : vector<1x1024xf32> to vector<256x1024xf32>
      %add3A_99 = arith.addf %dot_general3A_86, %add3A_98 : vector<256x1024xf32>
      %get3A_100 = arith.constant 0 : index
      %get3A_101 = arith.constant 0 : index
      %get3A_102 = vector.load %arg3[%get3A_100, %get3A_101] : memref<256x1024xf32, #tpu.memory_space<vmem>>, vector<256x1024xf32>
      %get3A_103 = arith.constant 0 : index
      %get3A_104 = arith.constant 0 : index
      %get3A_105 = vector.load %arg4[%get3A_103, %get3A_104] : memref<256x1xf32, #tpu.memory_space<vmem>>, vector<256x1xf32>
      %mul3A_106 = vector.broadcast %get3A_105 : vector<256x1xf32> to vector<256x1024xf32>
      %mul3A_107 = arith.mulf %get3A_102, %mul3A_106 : vector<256x1024xf32>
      %add3A_108 = arith.addf %add3A_99, %mul3A_107 : vector<256x1024xf32>
      %swap3A = arith.constant 0 : index
      %swap3A_109 = arith.constant 0 : index
      %swap3A_110 = vector.load %arg12[%swap3A, %swap3A_109] : memref<256x1024xf32, #tpu.memory_space<vmem>>, vector<256x1024xf32>
      tpu.vector_store %arg12[%swap3A, %swap3A_109], %add3A_108 {strides = array<i32>} : memref<256x1024xf32, #tpu.memory_space<vmem>>, vector<256x1024xf32>,
    } else {
    }
    %gt3A = arith.constant 0 : i32
    %gt3A_91 = arith.cmpi sgt, %arg1, %gt3A : i32
    %convert_element_type3A_92 = arith.extui %gt3A_91 : i1 to i32
    %cond3A_93 = arith.constant 0 : i32
    %cond3A_94 = arith.cmpi ne, %convert_element_type3A_92, %cond3A_93 : i32
    scf.if %cond3A_94 {
      %get3A_95 = arith.constant 0 : index
      %get3A_96 = arith.constant 0 : index
      %get3A_97 = vector.load %arg12[%get3A_95, %get3A_96] : memref<256x1024xf32, #tpu.memory_space<vmem>>, vector<256x1024xf32>
      %add3A_98 = arith.addf %get3A_97, %dot_general3A_86 : vector<256x1024xf32>
      %swap3A = arith.constant 0 : index
      %swap3A_99 = arith.constant 0 : index
      %swap3A_100 = vector.load %arg12[%swap3A, %swap3A_99] : memref<256x1024xf32, #tpu.memory_space<vmem>>, vector<256x1024xf32>
      tpu.vector_store %arg12[%swap3A, %swap3A_99], %add3A_98 {strides = array<i32>} : memref<256x1024xf32, #tpu.memory_space<vmem>>, vector<256x1024xf32>,
    } else {
    }
    return
  }
  func.func @transform_0(%arg0: i32, %arg1: i32) -> (i32, i32) {
    %c0_i32 = arith.constant 0 : i32
    %c0_i32_0 = arith.constant 0 : i32
    return %arg0, %c0_i32 : i32, i32
  }
  func.func @transform_1(%arg0: i32, %arg1: i32) -> (i32, i32) {
    %c0_i32 = arith.constant 0 : i32
    %c0_i32_0 = arith.constant 0 : i32
    return %arg0, %c0_i32 : i32, i32
  }
  func.func @transform_2(%arg0: i32, %arg1: i32) -> (i32, i32) {
    %c0_i32 = arith.constant 0 : i32
    %c0_i32_0 = arith.constant 0 : i32
    return %arg0, %c0_i32 : i32, i32
  }
  func.func @transform_3(%arg0: i32, %arg1: i32) -> (i32, i32) {
    %c0_i32 = arith.constant 0 : i32
    %c0_i32_0 = arith.constant 0 : i32
    %c0_i32_1 = arith.constant 0 : i32
    return %c0_i32, %c0_i32_0 : i32, i32
  }
  func.func @transform_4(%arg0: i32, %arg1: i32) -> (i32, i32) {
    %c0_i32 = arith.constant 0 : i32
    %c0_i32_0 = arith.constant 0 : i32
    %c0_i32_1 = arith.constant 0 : i32
    return %c0_i32, %c0_i32_0 : i32, i32
  }
  func.func @transform_5(%arg0: i32, %arg1: i32) -> (i32, i32) {
    %c0_i32 = arith.constant 0 : i32
    %c0_i32_0 = arith.constant 0 : i32
    return %c0_i32, %arg1 : i32, i32
  }
  func.func @transform_6(%arg0: i32, %arg1: i32) -> (i32, i32) {
    %c0_i32 = arith.constant 0 : i32
    %c0_i32_0 = arith.constant 0 : i32
    %c0_i32_1 = arith.constant 0 : i32
    return %c0_i32, %c0_i32_0 : i32, i32
  }
  func.func @transform_7(%arg0: i32, %arg1: i32) -> (i32, i32) {
    %c0_i32 = arith.constant 0 : i32
    %c0_i32_0 = arith.constant 0 : i32
    %c0_i32_1 = arith.constant 0 : i32
    return %c0_i32, %c0_i32_0 : i32, i32
  }
  func.func @transform_8(%arg0: i32, %arg1: i32) -> (i32, i32) {
    %c0_i32 = arith.constant 0 : i32
    %c0_i32_0 = arith.constant 0 : i32
    %c0_i32_1 = arith.constant 0 : i32
    return %c0_i32, %c0_i32_0 : i32, i32
  }
  func.func @transform_9(%arg0: i32, %arg1: i32) -> (i32, i32) {
    %c0_i32 = arith.constant 0 : i32
    %c0_i32_0 = arith.constant 0 : i32
    %c0_i32_1 = arith.constant 0 : i32
    return %c0_i32, %c0_i32_0 : i32, i32
  }
  func.func @transform_10(%arg0: i32, %arg1: i32) -> (i32, i32) {
    %c0_i32 = arith.constant 0 : i32
    %c0_i32_0 = arith.constant 0 : i32
    return %arg0, %c0_i32 : i32, i32
  }
}

</mosaic_0001>

<sc_bundles>
// kernel: kernel.10.cloned.1.call-start
scs
__scs_entry_jumppad:
0x0: {  	(pc) =	sbr.rel $0x88, $3  }
0x1: {  	(tag) =	ssettag $0x0;
	lr =	simm.s32 $0x1  }
0x2: {  	[smem:$0x3F92] =	sst lr;
	_ =	strace $0xD0000000  }
0x3: {  	_ = 	snop  }
0x4: {  	_ = 	snop  }
0x5: {  	_ = 	snop  }
0x6: {  	_ = 	snop  }
0x7: {  	_ = 	snop  }
__scs_overlays_trampoline_lowered:
0x8: {  	[smem:$0x3FA1] =	sst s0  }
0x9: {  	[smem:$0x3FA2] =	sst s1  }
0xa: {  	[smem:$0x3FA3] =	sst s2  }
0xb: {  	[smem:$0x3FA4] =	sst s3  }
0xc: {  	[smem:$0x3FA5] =	sst s4  }
0xd: {  	[smem:$0x3FA6] =	sst s5  }
0xe: {  	[smem:$0x3FA7] =	sst s6  }
0xf: {  	[smem:$0x3FA8] =	sst s7  }
0x10: {  	[smem:$0x3FA9] =	sst s8  }
0x11: {  	[smem:$0x3FAA] =	sst s9;
	s0 =	simm.s32 @!p0 $0x0  }
0x12: {  	s1 =	sld [smem:$0x3F90];
	s0 =	simm.s32 @p0 $0x1  }
0x13: {  	[smem:$0x3FAB] =	sst s0;
	s0 =	simm.s32 @!p1 $0x0  }
0x14: {  	s2 =	sld [smem:$0x3F8F];
	s0 =	simm.s32 @p1 $0x1  }
0x15: {  	[smem:$0x3FAC] =	sst s0;
	s0 =	simm.s32 @!p2 $0x0  }
0x16: {  	s3 =	sld [smem:$0x3FDB];
	s0 =	simm.s32 @p2 $0x1  }
0x17: {  	s4 =	simm.s32 $0x1BF5;
	[smem:$0x3FAE] =	sst s0  }
0x18: {  	s0 =	sld [smem:$0x3F91];
	_ =	swait.ge [sflag:s4], $0x0  }
0x19: {  	s7 =	sld [smem:$0x3F92]  }
0x1a: {  	s8 =	sadd.s32 $0xFFFFE003, lr  }
0x1b: {  	s9 =	sadd.s32 $0xFFFFFEF7, lr;
	s5 =	simm.s32 $0xFFFFFFFF;
	p2 =	slt.u32 s8, $0xFFFFF086  }
0x1c: {  	p1 =	slt.u32 s9, $0xF7A;
	s5 =	simm.s32 @!p2 $0x0  }
0x1d: {  	s5 =	simm.s32 @p1 $0x1;
	p0 =	seq.s32 s7, s2  }
0x1e: {  	s7 =	smul.u32 @!p0 $0xF7A, s2;
	p2 =	seq.s32 @!p0 s5, $0x0  }
0x1f: {  	s9 =	smul.u32 $0xF7A, s1;
	s8 =	simm.s32 @!p0 $0x1BF5;
	p2 =	por !p2, p0  }
0x20: {  	[sflag:s8] =	ssyncset.s32 @!p0 $0xFFFFF086;
	s6 =	sadd.s32 @!p0 s3, s7;
	s7 =	simm.s32 @!p0 $0x108  }
0x21: {  	s3 =	sadd.s32 s3, s9;
	s6 =	sadd.s32 @!p0 $0x88, s6;
	s7 =	simm.s32 @p2 $0x1082  }
0x22: {  	[simem:s7], [sflag:s8] =	dma.local @!p0 [hbm:s6], $0xF7A  }
0x23: {  	s9 =	sor.u32 $0xD0000000, s2;
	s6 =	simm.s32 $0x108;
	_ =	swait.ge @!p0 [sflag:s8], $0x0  }
0x24: {  	s3 =	sadd.s32 $0x88, s3;
	s6 =	simm.s32 @!p1 $0x1082;
	[sflag:s4] =	ssyncset.s32 $0xFFFFF086  }
0x25: {  	[simem:s6], [sflag:s4] =	dma.local [hbm:s3], $0xF7A  }
0x26: {  	[smem:$0x3F92] =	sst s1;
	(tag) =	ssettag s2;
	_ =	strace s9  }
0x27: {  	s1 =	sld [smem:$0x3FA2]  }
0x28: {  	s2 =	sld [smem:$0x3FA3]  }
0x29: {  	s4 =	sld [smem:$0x3FA5]  }
0x2a: {  	p0 =	seq.s32 s5, $0x0;
	s5 =	sld [smem:$0x3FA6]  }
0x2b: {  	s6 =	sld [smem:$0x3FA7]  }
0x2c: {  	s7 =	sld [smem:$0x3FA8]  }
0x2d: {  	s3 =	simm.s32 $0x108;
	s8 =	sld [smem:$0x3FA9]  }
0x2e: {  	s3 =	simm.s32 @!p0 $0x1082;
	s9 =	sld [smem:$0x3FAA]  }
0x2f: {  	lr =	sadd.s32 s0, s3;
	s0 =	sld [smem:$0x3FA1]  }
0x30: {  	s3 =	sld [smem:$0x3FA4]  }
0x31: {  	[smem:$0x3FAD] =	sst s10  }
0x32: {  	s10 =	sld [smem:$0x3FAB];
	_ =	sdelay $0x3  }
0x33: {  	p0 =	seq.s32 s10, $0x1;
	s10 =	sld [smem:$0x3FAD];
	_ =	sdelay $0x3  }
0x34: {  	[smem:$0x3FAD] =	sst s10  }
0x35: {  	s10 =	sld [smem:$0x3FAC];
	_ =	sdelay $0x3  }
0x36: {  	p1 =	seq.s32 s10, $0x1;
	s10 =	sld [smem:$0x3FAD];
	_ =	sdelay $0x3  }
0x37: {  	[smem:$0x3FAD] =	sst s10  }
0x38: {  	s10 =	sld [smem:$0x3FAE]  }
0x39: {  	_ = 	snop;
	(pc) =	sbr.ind lr, $3  }
0x3a: {  	_ = 	snop  }
0x3b: {  	_ = 	snop  }
0x3c: {  	p2 =	seq.s32 s10, $0x1;
	s10 =	sld [smem:$0x3FAD]  }
0x3d: {  	_ =	shalt  }
0x3e: {  	_ =	shalt  }
0x3f: {  	_ =	shalt  }
0x40: {  	_ =	shalt  }
0x41: {  	_ =	shalt  }
0x42: {  	_ =	shalt  }
0x43: {  	_ =	shalt  }
0x44: {  	_ =	shalt  }
0x45: {  	_ =	shalt  }
0x46: {  	_ =	shalt  }
0x47: {  	_ =	shalt  }
0x48: {  	_ =	shalt  }
0x49: {  	_ =	shalt  }
0x4a: {  	_ =	shalt  }
0x4b: {  	_ =	shalt  }
0x4c: {  	_ =	shalt  }
0x4d: {  	_ =	shalt  }
0x4e: {  	_ =	shalt  }
0x4f: {  	_ =	shalt  }
0x50: {  	_ =	shalt  }
0x51: {  	_ =	shalt  }
0x52: {  	_ =	shalt  }
0x53: {  	_ =	shalt  }
0x54: {  	_ =	shalt  }
0x55: {  	_ =	shalt  }
0x56: {  	_ =	shalt  }
0x57: {  	_ =	shalt  }
0x58: {  	_ =	shalt  }
0x59: {  	_ =	shalt  }
0x5a: {  	_ =	shalt  }
0x5b: {  	_ =	shalt  }
0x5c: {  	_ =	shalt  }
0x5d: {  	_ =	shalt  }
0x5e: {  	_ =	shalt  }
0x5f: {  	_ =	shalt  }
0x60: {  	_ =	shalt  }
0x61: {  	_ =	shalt  }
0x62: {  	_ =	shalt  }
0x63: {  	_ =	shalt  }
0x64: {  	_ =	shalt  }
0x65: {  	_ =	shalt  }
0x66: {  	_ =	shalt  }
0x67: {  	_ =	shalt  }
0x68: {  	_ =	shalt  }
0x69: {  	_ =	shalt  }
0x6a: {  	_ =	shalt  }
0x6b: {  	_ =	shalt  }
0x6c: {  	_ =	shalt  }
0x6d: {  	_ =	shalt  }
0x6e: {  	_ =	shalt  }
0x6f: {  	_ =	shalt  }
0x70: {  	_ =	shalt  }
0x71: {  	_ =	shalt  }
0x72: {  	_ =	shalt  }
0x73: {  	_ =	shalt  }
0x74: {  	_ =	shalt  }
0x75: {  	_ =	shalt  }
0x76: {  	_ =	shalt  }
0x77: {  	_ =	shalt  }
0x78: {  	_ =	shalt  }
0x79: {  	_ =	shalt  }
0x7a: {  	_ =	shalt  }
0x7b: {  	_ =	shalt  }
0x7c: {  	_ =	shalt  }
0x7d: {  	_ =	shalt  }
0x7e: {  	_ =	shalt  }
0x7f: {  	_ =	shalt  }
0x80: {  	_ =	shalt  }
0x81: {  	_ =	shalt  }
0x82: {  	_ =	shalt  }
0x83: {  	_ =	shalt  }
0x84: {  	_ =	shalt  }
0x85: {  	_ =	shalt  }
0x86: {  	_ =	shalt  }
0x87: {  	_ =	shalt  }
.Lfunc_end0:
.L_simem_size_0:
called_computation.1_lowered:
.L_overlay_start_0:
0x88: {  	s2 =	sld [smem:$0x3FD9]  }
0x89: {  	s3 =	sld [smem:$0x3FFE];
	_ =	sdelay $0x1  }
0x8a: {  	s1 =	srdreg.scid  }
0x8b: {  	s0 =	sand.u32 $0x1, s1  }
0x8c: {  	s16 =	sshll.u32 s0, $0xA;
	s2 =	sadd.s32 s3, s2  }
0x8d: {  	s2 =	sadd.s32 s2, s16  }
0x8e: {  	[smem:$0x3FB9] =	sst s2  }
0x8f: {  	_ = 	snop  }
0x90: {  	(tm) =	ssettm $0x1  }
0x91: {  	s17 =	sld [smem:$0x3FFB];
	_ =	sdelay $0x3  }
0x92: {  	_ =	strace s17  }
0x93: {  	s2 =	sld [smem:$0x3FFC];
	_ =	sdelay $0x3  }
0x94: {  	_ =	strace s2  }
0x95: {  	s2 =	sld [smem:$0x3FFD];
	_ =	sdelay $0x3  }
0x96: {  	_ =	strace s2  }
0x97: {  	_ =	strace $0x8FFFFFFF  }
0x98: {  	s18 =	sld [smem:$0x3FDB];
	_ =	sdelay $0x1  }
0x99: {  	s19 =	simm.s32 $_scs_section_size  }
0x9a: {  	s4 =	simm.s32 $_size__tile_overlayer_lowered;
	s5 =	simm.s32 $_tile_overlayer_lowered  }
0x9b: {  	s22 =	simm.s32 $0x1BFF;
	s21 =	sshll.u32 s5, $0x1;
	s2 =	sadd.s32 s19, s18  }
0x9c: {  	s6 =	simm.s32 $0x0;
	s20 =	sshll.u32 s4, $0x1;
	s4 =	sadd.s32 s21, s2  }
0x9d: {  	[timem:s6], [sflag:s22] =	dma.local [hbm:s4], s20  }
0x9e: {  	_ =	swait.ge [sflag:s22], s20  }
0x9f: {  	s3 =	ssub.s32 $0x0, s20;
	[sflag:s22] =	ssyncset.done $0x0  }
0xa0: {  	[sflag:s22] =	ssyncadd.s32 s3;
	_ =	sdelay $0x1  }
0xa1: {  	s23 =	simm.s32 $0x1B8B  }
0xa2: {  	_ =	swait.ge [sflag:s23], $0x1  }
0xa3: {  	[sflag:s23] =	ssyncset.done $0x0  }
0xa4: {  	s25 =	simm.s32 $0x1B8E;
	s24 =	sld [smem:$0x3FFE];
	[sflag:s23] =	ssyncadd.s32 $0xFFFFFFFF  }
0xa5: {  	s26 =	simm.s32 $execute0_lowered;
	[smem:$0x3FD2] =	sst s25  }
0xa6: {  	s4 =	sshll.u32 s26, $0x1;
	_ =	strace $0x80000049;
	[dreg:$0x1] =	wrdreg $0xFFFFFFFF  }
0xa7: {  	s28 =	simm.s32 $_size_execute0_lowered;
	s2 =	sadd.s32 s2, s4;
	[dreg:$0x0] =	wrdreg $0x0  }
0xa8: {  	s4 =	sshll.u32 s28, $0x1;
	[dreg:$0x2] =	wrdreg s2  }
0xa9: {  	[dreg:$0x3] =	wrdreg s4  }
0xaa: {  	[dreg:$0x4] =	wrdreg $0xC0  }
0xab: {  	_ =	task [dreg:s6], $0x5FFFF  }
0xac: {  	[dreg:$0x1] =	wrdreg $0xFFFFFFFF  }
0xad: {  	[dreg:$0x0] =	wrdreg $0x60  }
0xae: {  	[dreg:$0x2] =	wrdreg s24  }
0xaf: {  	[dreg:$0x3] =	wrdreg $0x9  }
0xb0: {  	_ =	task.clear_ibuf [dreg:s6], $0x4FFFF;
	_ =	strace $0x90000049  }
0xb1: {  	s29 =	simm.s32 $0x9;
	_ =	strace $0x8000004B  }
0xb2: {  	_ =	swait.ge [sflag:s29], $0x1  }
0xb3: {  	[sflag:s29] =	ssyncadd.s32 $0xFFFFFFFF  }
0xb4: {  	_ =	strace $0x9000004B  }
0xb5: {  	_ =	sfence  }
0xb6: {  	s30 =	sld [smem:$0x0];
	_ =	sdelay $0x2  }
0xb7: {  	s31 =	sshll.u32 s1, $0xD;
	s1 =	sshrl.u32 s1, $0x2  }
0xb8: {  	s3 =	sand.u32 $0x4000, s31;
	s1 =	sadd.s32 s1, s30  }
0xb9: {  	s0 =	sor.u32 s3, s0;
	s1 =	sshll.u32 s1, $0x11  }
0xba: {  	s0 =	sor.u32 s1, s0  }
0xbb: {  	s0 =	sadd.s32 $0x8F2B, s0  }
0xbc: {  	[sflag:s0] =	ssyncadd.remote.s32 $0x1  }
0xbd: {  	_ =	sfence.sel $0xFFFF  }
0xbe: {  	[dreg:$0x0] =	wrdreg $0xFFFFFFFF;
	(pc) =	sbr.abs _section_cstart, $3  }
0xbf: {  	[dreg:$0x1] =	wrdreg $0xFFFFFFFF  }
0xc0: {  	_ =	task.clear_ibuf [dreg:s6], $0x2FFFF;
	_ =	strace $0x9FFFFFFF  }
0xc1: {  	(tm) =	ssettm $0x7FFFFFFF  }
tec
execute0_lowered:
.L_overlay_start_1:
0x0: {  	(tag) =	ssettag $0x1  }
0x1: {  	s1 =	srdreg.scid  }
0x2: {  	s0 =	stileid.u32;
	s6 =	rddreg [dreg:$0x0]  }
0x3: {  	s19 =	simm.s32 $0x880;
	s20 =	simm.s32 $0x1080;
	s21 =	simm.s32 $0x1880  }
0x4: {  	s22 =	simm.s32 $0x2080;
	s23 =	simm.s32 $0x2880;
	s7 =	simm.s32 $0x3080  }
0x5: {  	s24 =	simm.s32 $0x3880;
	s8 =	simm.s32 $0x4080;
	s25 =	simm.s32 $0x4880  }
0x6: {  	s26 =	simm.s32 $0x5080;
	s9 =	simm.s32 $0x80;
	s1 =	sand.u32 $0x1, s1  }
0x7: {  	s11 =	simm.s32 $0x6080;
	s2 =	sshll.u32 s0, $0x7;
	s3 =	sshll.u32 s1, $0x6  }
0x8: {  	s12 =	simm.s32 $0x6880;
	s3 =	sor.u32 s3, s2;
	s2 =	simm.s32 $0x0  }
0x9: {  	s13 =	simm.s32 $0x7080;
	s14 =	simm.s32 $0x7880;
	[smem:$0x7FF] =	sst s2  }
0xa: {  	s15 =	simm.s32 $0x8080;
	_ =	strace $0x8000004A;
	[dreg:$0x4] =	wrdreg s19  }
0xb: {  	s16 =	simm.s32 $0x8880;
	s17 =	simm.s32 $0x9080;
	[dreg:$0x5] =	wrdreg s20  }
0xc: {  	s18 =	simm.s32 $0x9880;
	s28 =	simm.s32 $0xE080;
	[dreg:$0x6] =	wrdreg s21  }
0xd: {  	s29 =	simm.s32 $0xE880;
	s30 =	simm.s32 $0xF080;
	[dreg:$0x7] =	wrdreg s22  }
0xe: {  	s31 =	simm.s32 $0xF880;
	s1 =	ssub.s32 $0x2, s1;
	[dreg:$0x8] =	wrdreg s23  }
0xf: {  	s5 =	sshrl.u32 s1, $0x1;
	s4 =	sshrl.u32 s3, $0x3;
	[dreg:$0x9] =	wrdreg s7  }
0x10: {  	s3 =	sshll.u32 s3, $0x7;
	s1 =	ssub.s32 s1, s5;
	[dreg:$0xa] =	wrdreg s24  }
0x11: {  	s5 =	sadd.s32 $0x9A800, s6;
	s4 =	sadd.s32 s4, s6;
	[dreg:$0xb] =	wrdreg s8  }
0x12: {  	s3 =	sadd.s32 s3, s6;
	s7 =	smax.u32 s1, $0x1;
	[dreg:$0xc] =	wrdreg s25  }
0x13: {  	s8 =	simm.s32 $0x2;
	[dreg:$0xd] =	wrdreg s26;
	s19 =	simm.s32 $0xA080  }
0x14: {  	s20 =	simm.s32 $0xA880;
	s21 =	simm.s32 $0xB080;
	s22 =	simm.s32 $0xB880  }
0x15: {  	s23 =	simm.s32 $0xC080;
	s24 =	simm.s32 $0xC880;
	s4 =	sadd.s32 $0x8800, s4  }
0x16: {  	v2 =	vlaneseq.u32;
	s25 =	simm.s32 $0xD080;
	s3 =	sadd.s32 $0x8A00, s3;
	[dreg:$0x2] =	wrdreg s4  }
0x17: {  	vm0 =	vmmov $0xffff;
	v1 =	vshrl.u32 v2, $0x3;
	s26 =	simm.s32 $0xD880;
	s1 =	simm.s32 $0x1;
	[dreg:$0x3] =	wrdreg s3  }
0x18: {  	v0 =	vand.u32 $0x7, v2;
	v2 =	vor.u32 $0x8, v2;
	v1 =	vmul.u32 $0x8, v1;
	s3 =	sadd.s32 $0x9A600, s6;
	s4 =	sadd.s32 $0x9A700, s6;
	s6 =	sadd.s32 $0x9A900, s6  }
.LBB2_1:
0x19: {  	s0 =	rddreg [dreg:$0x2]  }
0x1a: {  	[tilespmem:s2], [sflag:$0x2] =	stream.linear.gather [hbm4b:s0+s2], $0x40, $0x38;
	[tilespmem:$0x10080] =	vst v63  }
0x1b: {  	_ =	swait.ge [sflag:s8], $0x40  }
0x1c: {  	[sflag:s8] =	ssyncset.done $0x0  }
0x1d: {  	[sflag:s8] =	ssyncadd.s32 $0xFFFFFFC0  }
0x1e: {  	v3 =	vld [tilespmem:$0x0];
	_ =	sdelay $0x4  }
0x1f: {  	v4 =	vshll.u32 v3, $0x3  }
0x20: {  	v3 =	vand.u32 $0x7, v3;
	v4 =	vand.u32 $0xFFFFFFC0, v4  }
0x21: {  	v3 =	vor.u32 v3, v4  }
0x22: {  	v4 =	vperm.xlane v3, v0;
	_ =	sdelay $0x1  }
0x23: {  	v4 =	vadd.s32 v1, v4;
	_ =	sdelay $0x4  }
0x24: {  	[tilespmem:s9], [sflag:$0x1] =	stream.indirect_vreg.gather [hbm4b:s3+s2], $0x80, v4, vm0, $0xb8;
	[tilespmem:$0x10080] =	vst v63  }
0x25: {  	s0 =	rddreg [dreg:$0x4];
	v3 =	vperm.xlane v3, v2  }
0x26: {  	[tilespmem:s0], [sflag:$0x1] =	stream.indirect_vreg.gather [hbm4b:s4+s2], $0x80, v4, vm0, $0xb8;
	[tilespmem:$0x10080] =	vst v63  }
0x27: {  	s10 =	rddreg [dreg:$0x5];
	v3 =	vadd.s32 v1, v3  }
0x28: {  	[tilespmem:s10], [sflag:$0x1] =	stream.indirect_vreg.gather [hbm4b:s5+s2], $0x80, v4, vm0, $0xb8;
	[tilespmem:$0x10080] =	vst v63  }
0x29: {  	s0 =	rddreg [dreg:$0x6]  }
0x2a: {  	[tilespmem:s0], [sflag:$0x1] =	stream.indirect_vreg.gather [hbm4b:s6+s2], $0x80, v4, vm0, $0xb8;
	[tilespmem:$0x10080] =	vst v63  }
0x2b: {  	s10 =	rddreg [dreg:$0x7]  }
0x2c: {  	[tilespmem:s10], [sflag:$0x1] =	stream.indirect_vreg.gather [hbm4b:s3+s2], $0x80, v3, vm0, $0xb8;
	[tilespmem:$0x10080] =	vst v63  }
0x2d: {  	s0 =	rddreg [dreg:$0x8]  }
0x2e: {  	[tilespmem:s0], [sflag:$0x1] =	stream.indirect_vreg.gather [hbm4b:s4+s2], $0x80, v3, vm0, $0xb8;
	[tilespmem:$0x10080] =	vst v63  }
0x2f: {  	s10 =	rddreg [dreg:$0x9]  }
0x30: {  	[tilespmem:s10], [sflag:$0x1] =	stream.indirect_vreg.gather [hbm4b:s5+s2], $0x80, v3, vm0, $0xb8;
	[tilespmem:$0x10080] =	vst v63  }
0x31: {  	s0 =	rddreg [dreg:$0xa]  }
0x32: {  	[tilespmem:s0], [sflag:$0x1] =	stream.indirect_vreg.gather [hbm4b:s6+s2], $0x80, v3, vm0, $0xb8;
	[tilespmem:$0x10080] =	vst v63  }
0x33: {  	v3 =	vld [tilespmem:$0x10];
	_ =	sdelay $0x4  }
0x34: {  	v61 =	vshll.u32 v3, $0x3  }
0x35: {  	v3 =	vand.u32 $0x7, v3;
	v4 =	vand.u32 $0xFFFFFFC0, v61  }
0x36: {  	v3 =	vor.u32 v3, v4  }
0x37: {  	v4 =	vperm.xlane v3, v0;
	_ =	sdelay $0x1  }
0x38: {  	v4 =	vadd.s32 v1, v4;
	_ =	sdelay $0x3  }
0x39: {  	s0 =	rddreg [dreg:$0xb]  }
0x3a: {  	[tilespmem:s0], [sflag:$0x1] =	stream.indirect_vreg.gather [hbm4b:s3+s2], $0x80, v4, vm0, $0xb8;
	[tilespmem:$0x10080] =	vst v63  }
0x3b: {  	s10 =	rddreg [dreg:$0xc];
	v3 =	vperm.xlane v3, v2  }
0x3c: {  	[tilespmem:s10], [sflag:$0x1] =	stream.indirect_vreg.gather [hbm4b:s4+s2], $0x80, v4, vm0, $0xb8;
	[tilespmem:$0x10080] =	vst v63  }
0x3d: {  	v3 =	vadd.s32 v1, v3;
	s0 =	rddreg [dreg:$0xd]  }
0x3e: {  	[tilespmem:s0], [sflag:$0x1] =	stream.indirect_vreg.gather [hbm4b:s5+s2], $0x80, v4, vm0, $0xb8;
	[tilespmem:$0x10080] =	vst v63  }
0x3f: {  	s10 =	simm.s32 $0x5880  }
0x40: {  	[tilespmem:s10], [sflag:$0x1] =	stream.indirect_vreg.gather [hbm4b:s6+s2], $0x80, v4, vm0, $0xb8;
	[tilespmem:$0x10080] =	vst v63  }
0x41: {  	_ = 	snop  }
0x42: {  	[tilespmem:s11], [sflag:$0x1] =	stream.indirect_vreg.gather [hbm4b:s3+s2], $0x80, v3, vm0, $0xb8;
	[tilespmem:$0x10080] =	vst v63  }
0x43: {  	_ = 	snop  }
0x44: {  	[tilespmem:s12], [sflag:$0x1] =	stream.indirect_vreg.gather [hbm4b:s4+s2], $0x80, v3, vm0, $0xb8;
	[tilespmem:$0x10080] =	vst v63  }
0x45: {  	_ = 	snop  }
0x46: {  	[tilespmem:s13], [sflag:$0x1] =	stream.indirect_vreg.gather [hbm4b:s5+s2], $0x80, v3, vm0, $0xb8;
	[tilespmem:$0x10080] =	vst v63  }
0x47: {  	_ = 	snop  }
0x48: {  	[tilespmem:s14], [sflag:$0x1] =	stream.indirect_vreg.gather [hbm4b:s6+s2], $0x80, v3, vm0, $0xb8;
	[tilespmem:$0x10080] =	vst v63  }
0x49: {  	v3 =	vld [tilespmem:$0x20];
	_ =	sdelay $0x4  }
0x4a: {  	v62 =	vshll.u32 v3, $0x3  }
0x4b: {  	v3 =	vand.u32 $0x7, v3;
	v4 =	vand.u32 $0xFFFFFFC0, v62  }
0x4c: {  	v3 =	vor.u32 v3, v4  }
0x4d: {  	v4 =	vperm.xlane v3, v0;
	_ =	sdelay $0x1  }
0x4e: {  	v4 =	vadd.s32 v1, v4;
	_ =	sdelay $0x4  }
0x4f: {  	[tilespmem:s15], [sflag:$0x1] =	stream.indirect_vreg.gather [hbm4b:s3+s2], $0x80, v4, vm0, $0xb8;
	[tilespmem:$0x10080] =	vst v63  }
0x50: {  	v3 =	vperm.xlane v3, v2  }
0x51: {  	[tilespmem:s16], [sflag:$0x1] =	stream.indirect_vreg.gather [hbm4b:s4+s2], $0x80, v4, vm0, $0xb8;
	[tilespmem:$0x10080] =	vst v63  }
0x52: {  	v3 =	vadd.s32 v1, v3  }
0x53: {  	[tilespmem:s17], [sflag:$0x1] =	stream.indirect_vreg.gather [hbm4b:s5+s2], $0x80, v4, vm0, $0xb8;
	[tilespmem:$0x10080] =	vst v63  }
0x54: {  	_ = 	snop  }
0x55: {  	[tilespmem:s18], [sflag:$0x1] =	stream.indirect_vreg.gather [hbm4b:s6+s2], $0x80, v4, vm0, $0xb8;
	[tilespmem:$0x10080] =	vst v63  }
0x56: {  	_ = 	snop  }
0x57: {  	[tilespmem:s19], [sflag:$0x1] =	stream.indirect_vreg.gather [hbm4b:s3+s2], $0x80, v3, vm0, $0xb8;
	[tilespmem:$0x10080] =	vst v63  }
0x58: {  	_ = 	snop  }
0x59: {  	[tilespmem:s20], [sflag:$0x1] =	stream.indirect_vreg.gather [hbm4b:s4+s2], $0x80, v3, vm0, $0xb8;
	[tilespmem:$0x10080] =	vst v63  }
0x5a: {  	_ = 	snop  }
0x5b: {  	[tilespmem:s21], [sflag:$0x1] =	stream.indirect_vreg.gather [hbm4b:s5+s2], $0x80, v3, vm0, $0xb8;
	[tilespmem:$0x10080] =	vst v63  }
0x5c: {  	_ = 	snop  }
0x5d: {  	[tilespmem:s22], [sflag:$0x1] =	stream.indirect_vreg.gather [hbm4b:s6+s2], $0x80, v3, vm0, $0xb8;
	[tilespmem:$0x10080] =	vst v63  }
0x5e: {  	v3 =	vld [tilespmem:$0x30];
	_ =	sdelay $0x4  }
0x5f: {  	v63 =	vshll.u32 v3, $0x3  }
0x60: {  	v3 =	vand.u32 $0x7, v3;
	v4 =	vand.u32 $0xFFFFFFC0, v63  }
0x61: {  	v3 =	vor.u32 v3, v4  }
0x62: {  	v4 =	vperm.xlane v3, v0;
	_ =	sdelay $0x1  }
0x63: {  	v4 =	vadd.s32 v1, v4;
	_ =	sdelay $0x4  }
0x64: {  	[tilespmem:s23], [sflag:$0x1] =	stream.indirect_vreg.gather [hbm4b:s3+s2], $0x80, v4, vm0, $0xb8;
	[tilespmem:$0x10080] =	vst v63  }
0x65: {  	v3 =	vperm.xlane v3, v2  }
0x66: {  	[tilespmem:s24], [sflag:$0x1] =	stream.indirect_vreg.gather [hbm4b:s4+s2], $0x80, v4, vm0, $0xb8;
	[tilespmem:$0x10080] =	vst v63  }
0x67: {  	v3 =	vadd.s32 v1, v3  }
0x68: {  	[tilespmem:s25], [sflag:$0x1] =	stream.indirect_vreg.gather [hbm4b:s5+s2], $0x80, v4, vm0, $0xb8;
	[tilespmem:$0x10080] =	vst v63  }
0x69: {  	_ = 	snop  }
0x6a: {  	[tilespmem:s26], [sflag:$0x1] =	stream.indirect_vreg.gather [hbm4b:s6+s2], $0x80, v4, vm0, $0xb8;
	[tilespmem:$0x10080] =	vst v63  }
0x6b: {  	_ = 	snop  }
0x6c: {  	[tilespmem:s28], [sflag:$0x1] =	stream.indirect_vreg.gather [hbm4b:s3+s2], $0x80, v3, vm0, $0xb8;
	[tilespmem:$0x10080] =	vst v63  }
0x6d: {  	_ = 	snop  }
0x6e: {  	[tilespmem:s29], [sflag:$0x1] =	stream.indirect_vreg.gather [hbm4b:s4+s2], $0x80, v3, vm0, $0xb8;
	[tilespmem:$0x10080] =	vst v63  }
0x6f: {  	_ = 	snop  }
0x70: {  	[tilespmem:s30], [sflag:$0x1] =	stream.indirect_vreg.gather [hbm4b:s5+s2], $0x80, v3, vm0, $0xb8;
	[tilespmem:$0x10080] =	vst v63  }
0x71: {  	_ = 	snop  }
0x72: {  	[tilespmem:s31], [sflag:$0x1] =	stream.indirect_vreg.gather [hbm4b:s6+s2], $0x80, v3, vm0, $0xb8;
	[tilespmem:$0x10080] =	vst v63  }
0x73: {  	_ =	swait.ge [sflag:s1], $0x10000  }
0x74: {  	p0 =	sne.s32 s7, $0x1;
	[sflag:s1] =	ssyncset.done $0x0  }
.Ltmp0:
0x75: {  	s10 =	rddreg [dreg:$0x3];
	[sflag:s1] =	ssyncadd.s32 $0xFFFF0000;
	(pc) =	sbr.rel @p0 .LBB2_1-.Ltmp0, $4  }
0x76: {  	[hbm4b:s10+s2] =	stream.linear.scatter [tilespmem:s9], [sflag:$0x2], $0x10000, $0x38;
	[tilespmem:$0x10080] =	vst v63  }
0x77: {  	_ =	swait.ge [sflag:s8], $0x10000  }
0x78: {  	[sflag:s8] =	ssyncset.done $0x0  }
0x79: {  	s7 =	sadd.s32 $0xFFFFFFFF, s7;
	[sflag:s8] =	ssyncadd.s32 $0xFFFF0000  }
0x7a: {  	_ =	sfence.sel $0x180000  }
0x7b: {  	[bflag:$0x0] =	sbarrier.arrive $0xFFFF  }
0x7c: {  	_ =	strace $0x9000004A  }
0x7d: {  	s0 =	stileid.u32;
	[bflag:$0x2] =	sbarrier.arrive $0xFFFF  }
0x7e: {  	p0 =	sne.s32 s0, $0x0;
	s0 =	rddreg [dreg:$0x1]  }
0x7f: {  	s0 =	sadd.s32 @!p0 $0x100000, s0  }
0x80: {  	[sflag:s0] =	ssyncadd.tile.s32 @!p0 $0x1;
	_ =	shalt  }
.Lfunc_end2:
_tile_overlayer_lowered:
.L_overlay_start_2:
0x81: {  	(tag) =	ssettag $0x2  }
0x82: {  	s0 =	rddreg [dreg:$0x0];
	s2 =	stileid.u32  }
0x83: {  	s1 =	rddreg [dreg:$0x1];
	p0 =	sne.s32 s2, $0x0  }
0x84: {  	s3 =	rddreg [dreg:$0x2];
	[bflag:$0x3] =	sbarrier.arrive $0xFFFF;
	s2 =	simm.s32 @!p0 $0x1C02  }
0x85: {  	[timem:s3], [sflag:s2] =	dma.local @!p0 [hbm:s0], s1  }
0x86: {  	s0 =	simm.s32 @!p0 $0x2  }
0x87: {  	_ =	swait.ge @!p0 [sflag:s0], s1  }
0x88: {  	s1 =	ssub.s32 @!p0 $0x0, s1;
	[sflag:s0] =	ssyncset.done @!p0 $0x0  }
0x89: {  	[sflag:s0] =	ssyncadd.s32 @!p0 s1  }
0x8a: {  	[bflag:$0x3] =	sbarrier.arrive $0xFFFF  }
0x8b: {  	_ =	shalt  }

// kernel: kernel.7.cloned.1.call-start
scs
__scs_entry_jumppad:
0x0: {  	(pc) =	sbr.rel $0x88, $3  }
0x1: {  	(tag) =	ssettag $0x0;
	lr =	simm.s32 $0x1  }
0x2: {  	[smem:$0x3F92] =	sst lr;
	_ =	strace $0xD0000000  }
0x3: {  	_ = 	snop  }
0x4: {  	_ = 	snop  }
0x5: {  	_ = 	snop  }
0x6: {  	_ = 	snop  }
0x7: {  	_ = 	snop  }
__scs_overlays_trampoline_lowered:
0x8: {  	[smem:$0x3FA1] =	sst s0  }
0x9: {  	[smem:$0x3FA2] =	sst s1  }
0xa: {  	[smem:$0x3FA3] =	sst s2  }
0xb: {  	[smem:$0x3FA4] =	sst s3  }
0xc: {  	[smem:$0x3FA5] =	sst s4  }
0xd: {  	[smem:$0x3FA6] =	sst s5  }
0xe: {  	[smem:$0x3FA7] =	sst s6  }
0xf: {  	[smem:$0x3FA8] =	sst s7  }
0x10: {  	[smem:$0x3FA9] =	sst s8  }
0x11: {  	[smem:$0x3FAA] =	sst s9;
	s0 =	simm.s32 @!p0 $0x0  }
0x12: {  	s1 =	sld [smem:$0x3F90];
	s0 =	simm.s32 @p0 $0x1  }
0x13: {  	[smem:$0x3FAB] =	sst s0;
	s0 =	simm.s32 @!p1 $0x0  }
0x14: {  	s2 =	sld [smem:$0x3F8F];
	s0 =	simm.s32 @p1 $0x1  }
0x15: {  	[smem:$0x3FAC] =	sst s0;
	s0 =	simm.s32 @!p2 $0x0  }
0x16: {  	s3 =	sld [smem:$0x3FDB];
	s0 =	simm.s32 @p2 $0x1  }
0x17: {  	s4 =	simm.s32 $0x1BF5;
	[smem:$0x3FAE] =	sst s0  }
0x18: {  	s0 =	sld [smem:$0x3F91];
	_ =	swait.ge [sflag:s4], $0x0  }
0x19: {  	s7 =	sld [smem:$0x3F92]  }
0x1a: {  	s8 =	sadd.s32 $0xFFFFE003, lr  }
0x1b: {  	s9 =	sadd.s32 $0xFFFFFEF7, lr;
	s5 =	simm.s32 $0xFFFFFFFF;
	p2 =	slt.u32 s8, $0xFFFFF086  }
0x1c: {  	p1 =	slt.u32 s9, $0xF7A;
	s5 =	simm.s32 @!p2 $0x0  }
0x1d: {  	s5 =	simm.s32 @p1 $0x1;
	p0 =	seq.s32 s7, s2  }
0x1e: {  	s7 =	smul.u32 @!p0 $0xF7A, s2;
	p2 =	seq.s32 @!p0 s5, $0x0  }
0x1f: {  	s9 =	smul.u32 $0xF7A, s1;
	s8 =	simm.s32 @!p0 $0x1BF5;
	p2 =	por !p2, p0  }
0x20: {  	[sflag:s8] =	ssyncset.s32 @!p0 $0xFFFFF086;
	s6 =	sadd.s32 @!p0 s3, s7;
	s7 =	simm.s32 @!p0 $0x108  }
0x21: {  	s3 =	sadd.s32 s3, s9;
	s6 =	sadd.s32 @!p0 $0x88, s6;
	s7 =	simm.s32 @p2 $0x1082  }
0x22: {  	[simem:s7], [sflag:s8] =	dma.local @!p0 [hbm:s6], $0xF7A  }
0x23: {  	s9 =	sor.u32 $0xD0000000, s2;
	s6 =	simm.s32 $0x108;
	_ =	swait.ge @!p0 [sflag:s8], $0x0  }
0x24: {  	s3 =	sadd.s32 $0x88, s3;
	s6 =	simm.s32 @!p1 $0x1082;
	[sflag:s4] =	ssyncset.s32 $0xFFFFF086  }
0x25: {  	[simem:s6], [sflag:s4] =	dma.local [hbm:s3], $0xF7A  }
0x26: {  	[smem:$0x3F92] =	sst s1;
	(tag) =	ssettag s2;
	_ =	strace s9  }
0x27: {  	s1 =	sld [smem:$0x3FA2]  }
0x28: {  	s2 =	sld [smem:$0x3FA3]  }
0x29: {  	s4 =	sld [smem:$0x3FA5]  }
0x2a: {  	p0 =	seq.s32 s5, $0x0;
	s5 =	sld [smem:$0x3FA6]  }
0x2b: {  	s6 =	sld [smem:$0x3FA7]  }
0x2c: {  	s7 =	sld [smem:$0x3FA8]  }
0x2d: {  	s3 =	simm.s32 $0x108;
	s8 =	sld [smem:$0x3FA9]  }
0x2e: {  	s3 =	simm.s32 @!p0 $0x1082;
	s9 =	sld [smem:$0x3FAA]  }
0x2f: {  	lr =	sadd.s32 s0, s3;
	s0 =	sld [smem:$0x3FA1]  }
0x30: {  	s3 =	sld [smem:$0x3FA4]  }
0x31: {  	[smem:$0x3FAD] =	sst s10  }
0x32: {  	s10 =	sld [smem:$0x3FAB];
	_ =	sdelay $0x3  }
0x33: {  	p0 =	seq.s32 s10, $0x1;
	s10 =	sld [smem:$0x3FAD];
	_ =	sdelay $0x3  }
0x34: {  	[smem:$0x3FAD] =	sst s10  }
0x35: {  	s10 =	sld [smem:$0x3FAC];
	_ =	sdelay $0x3  }
0x36: {  	p1 =	seq.s32 s10, $0x1;
	s10 =	sld [smem:$0x3FAD];
	_ =	sdelay $0x3  }
0x37: {  	[smem:$0x3FAD] =	sst s10  }
0x38: {  	s10 =	sld [smem:$0x3FAE]  }
0x39: {  	_ = 	snop;
	(pc) =	sbr.ind lr, $3  }
0x3a: {  	_ = 	snop  }
0x3b: {  	_ = 	snop  }
0x3c: {  	p2 =	seq.s32 s10, $0x1;
	s10 =	sld [smem:$0x3FAD]  }
0x3d: {  	_ =	shalt  }
0x3e: {  	_ =	shalt  }
0x3f: {  	_ =	shalt  }
0x40: {  	_ =	shalt  }
0x41: {  	_ =	shalt  }
0x42: {  	_ =	shalt  }
0x43: {  	_ =	shalt  }
0x44: {  	_ =	shalt  }
0x45: {  	_ =	shalt  }
0x46: {  	_ =	shalt  }
0x47: {  	_ =	shalt  }
0x48: {  	_ =	shalt  }
0x49: {  	_ =	shalt  }
0x4a: {  	_ =	shalt  }
0x4b: {  	_ =	shalt  }
0x4c: {  	_ =	shalt  }
0x4d: {  	_ =	shalt  }
0x4e: {  	_ =	shalt  }
0x4f: {  	_ =	shalt  }
0x50: {  	_ =	shalt  }
0x51: {  	_ =	shalt  }
0x52: {  	_ =	shalt  }
0x53: {  	_ =	shalt  }
0x54: {  	_ =	shalt  }
0x55: {  	_ =	shalt  }
0x56: {  	_ =	shalt  }
0x57: {  	_ =	shalt  }
0x58: {  	_ =	shalt  }
0x59: {  	_ =	shalt  }
0x5a: {  	_ =	shalt  }
0x5b: {  	_ =	shalt  }
0x5c: {  	_ =	shalt  }
0x5d: {  	_ =	shalt  }
0x5e: {  	_ =	shalt  }
0x5f: {  	_ =	shalt  }
0x60: {  	_ =	shalt  }
0x61: {  	_ =	shalt  }
0x62: {  	_ =	shalt  }
0x63: {  	_ =	shalt  }
0x64: {  	_ =	shalt  }
0x65: {  	_ =	shalt  }
0x66: {  	_ =	shalt  }
0x67: {  	_ =	shalt  }
0x68: {  	_ =	shalt  }
0x69: {  	_ =	shalt  }
0x6a: {  	_ =	shalt  }
0x6b: {  	_ =	shalt  }
0x6c: {  	_ =	shalt  }
0x6d: {  	_ =	shalt  }
0x6e: {  	_ =	shalt  }
0x6f: {  	_ =	shalt  }
0x70: {  	_ =	shalt  }
0x71: {  	_ =	shalt  }
0x72: {  	_ =	shalt  }
0x73: {  	_ =	shalt  }
0x74: {  	_ =	shalt  }
0x75: {  	_ =	shalt  }
0x76: {  	_ =	shalt  }
0x77: {  	_ =	shalt  }
0x78: {  	_ =	shalt  }
0x79: {  	_ =	shalt  }
0x7a: {  	_ =	shalt  }
0x7b: {  	_ =	shalt  }
0x7c: {  	_ =	shalt  }
0x7d: {  	_ =	shalt  }
0x7e: {  	_ =	shalt  }
0x7f: {  	_ =	shalt  }
0x80: {  	_ =	shalt  }
0x81: {  	_ =	shalt  }
0x82: {  	_ =	shalt  }
0x83: {  	_ =	shalt  }
0x84: {  	_ =	shalt  }
0x85: {  	_ =	shalt  }
0x86: {  	_ =	shalt  }
0x87: {  	_ =	shalt  }
.Lfunc_end0:
.L_simem_size_0:
called_computation_lowered:
.L_overlay_start_0:
0x88: {  	s2 =	sld [smem:$0x3FD9]  }
0x89: {  	s3 =	sld [smem:$0x3FFE];
	_ =	sdelay $0x1  }
0x8a: {  	s1 =	srdreg.scid  }
0x8b: {  	s0 =	sand.u32 $0x1, s1  }
0x8c: {  	s17 =	sshll.u32 s0, $0xA;
	s2 =	sadd.s32 s3, s2  }
0x8d: {  	s2 =	sadd.s32 s2, s17  }
0x8e: {  	[smem:$0x3FB9] =	sst s2  }
0x8f: {  	_ = 	snop  }
0x90: {  	s2 =	sld [smem:$0x3FC9];
	(tm) =	ssettm $0x1  }
0x91: {  	s18 =	sld [smem:$0x3FFB];
	_ =	sdelay $0x3  }
0x92: {  	_ =	strace s18  }
0x93: {  	s3 =	sld [smem:$0x3FFC];
	_ =	sdelay $0x3  }
0x94: {  	_ =	strace s3  }
0x95: {  	s3 =	sld [smem:$0x3FFD];
	_ =	sdelay $0x3  }
0x96: {  	_ =	strace s3  }
0x97: {  	_ =	strace $0x8FFFFFFF  }
0x98: {  	s19 =	sld [smem:$0x3FDB];
	_ =	sdelay $0x1  }
0x99: {  	s4 =	simm.s32 $_scs_section_size  }
0x9a: {  	s5 =	simm.s32 $_size__tile_overlayer_lowered;
	s6 =	simm.s32 $_tile_overlayer_lowered  }
0x9b: {  	s22 =	simm.s32 $0x1BFF;
	s21 =	sshll.u32 s6, $0x1;
	s3 =	sadd.s32 s4, s19  }
0x9c: {  	s7 =	simm.s32 $0x0;
	s20 =	sshll.u32 s5, $0x1;
	s5 =	sadd.s32 s21, s3  }
0x9d: {  	[timem:s7], [sflag:s22] =	dma.local [hbm:s5], s20  }
0x9e: {  	_ =	swait.ge [sflag:s22], s20  }
0x9f: {  	s4 =	ssub.s32 $0x0, s20;
	[sflag:s22] =	ssyncset.done $0x0  }
0xa0: {  	[sflag:s22] =	ssyncadd.s32 s4;
	_ =	sdelay $0x1  }
0xa1: {  	s23 =	simm.s32 $0x1B8B  }
0xa2: {  	_ =	swait.ge [sflag:s23], $0x1  }
0xa3: {  	[sflag:s23] =	ssyncset.done $0x0  }
0xa4: {  	s25 =	simm.s32 $0x1B8E;
	s24 =	sld [smem:$0x3FFE];
	[sflag:s23] =	ssyncadd.s32 $0xFFFFFFFF  }
0xa5: {  	s26 =	simm.s32 $execute0_lowered;
	[smem:$0x3FD2] =	sst s25  }
0xa6: {  	s5 =	sshll.u32 s26, $0x1;
	_ =	strace $0x80000046;
	[dreg:$0x1] =	wrdreg $0xFFFFFFFF  }
0xa7: {  	s28 =	simm.s32 $_size_execute0_lowered;
	s3 =	sadd.s32 s3, s5;
	[dreg:$0x0] =	wrdreg $0x0  }
0xa8: {  	s5 =	sshll.u32 s28, $0x1;
	[dreg:$0x2] =	wrdreg s3  }
0xa9: {  	[dreg:$0x3] =	wrdreg s5  }
0xaa: {  	[dreg:$0x4] =	wrdreg $0xC0  }
0xab: {  	_ =	task [dreg:s7], $0x5FFFF  }
0xac: {  	[dreg:$0x1] =	wrdreg $0xFFFFFFFF  }
0xad: {  	[dreg:$0x0] =	wrdreg $0x60  }
0xae: {  	[dreg:$0x2] =	wrdreg s2  }
0xaf: {  	[dreg:$0x3] =	wrdreg s24  }
0xb0: {  	[dreg:$0x4] =	wrdreg $0x9  }
0xb1: {  	_ =	task.clear_ibuf [dreg:s7], $0x5FFFF;
	_ =	strace $0x90000046  }
0xb2: {  	s29 =	simm.s32 $0x9;
	_ =	strace $0x80000048  }
0xb3: {  	_ =	swait.ge [sflag:s29], $0x1  }
0xb4: {  	[sflag:s29] =	ssyncadd.s32 $0xFFFFFFFF  }
0xb5: {  	_ =	strace $0x90000048  }
0xb6: {  	_ =	sfence  }
0xb7: {  	s30 =	sld [smem:$0x0];
	_ =	sdelay $0x2  }
0xb8: {  	s31 =	sshll.u32 s1, $0xD;
	s1 =	sshrl.u32 s1, $0x2  }
0xb9: {  	s3 =	sand.u32 $0x4000, s31;
	s1 =	sadd.s32 s1, s30  }
0xba: {  	s0 =	sor.u32 s3, s0;
	s1 =	sshll.u32 s1, $0x11  }
0xbb: {  	s0 =	sor.u32 s1, s0  }
0xbc: {  	s0 =	sadd.s32 $0x8F2B, s0  }
0xbd: {  	[sflag:s0] =	ssyncadd.remote.s32 $0x1  }
0xbe: {  	_ =	sfence.sel $0xFFFF  }
0xbf: {  	[dreg:$0x0] =	wrdreg $0xFFFFFFFF;
	(pc) =	sbr.abs _section_cstart, $3  }
0xc0: {  	[dreg:$0x1] =	wrdreg $0xFFFFFFFF  }
0xc1: {  	_ =	task.clear_ibuf [dreg:s7], $0x2FFFF;
	_ =	strace $0x9FFFFFFF  }
0xc2: {  	(tm) =	ssettm $0x7FFFFFFF  }
0xc3: {  	_ =	shalt  }
tec
execute0_lowered:
.L_overlay_start_1:
0x0: {  	(tag) =	ssettag $0x1  }
0x1: {  	s1 =	srdreg.scid  }
0x2: {  	s0 =	stileid.u32;
	s3 =	rddreg [dreg:$0x0]  }
0x3: {  	s6 =	rddreg [dreg:$0x1];
	s18 =	simm.s32 $0x880;
	s19 =	simm.s32 $0x1080  }
0x4: {  	s20 =	simm.s32 $0x1880;
	s22 =	simm.s32 $0x2080;
	s23 =	simm.s32 $0x2880  }
0x5: {  	s7 =	simm.s32 $0x3080;
	s24 =	simm.s32 $0x3880;
	s8 =	simm.s32 $0x4080  }
0x6: {  	s25 =	simm.s32 $0x4880;
	s26 =	simm.s32 $0x5080;
	s1 =	sand.u32 $0x1, s1  }
0x7: {  	s9 =	simm.s32 $0x80;
	s2 =	sshll.u32 s0, $0x7;
	s4 =	sshll.u32 s1, $0x6  }
0x8: {  	s11 =	simm.s32 $0x6080;
	s4 =	sor.u32 s4, s2;
	s2 =	simm.s32 $0x0  }
0x9: {  	s12 =	simm.s32 $0x6880;
	s13 =	simm.s32 $0x7080;
	[smem:$0x7FF] =	sst s2  }
0xa: {  	s14 =	simm.s32 $0x7880;
	_ =	strace $0x80000047;
	[dreg:$0x5] =	wrdreg s18  }
0xb: {  	s15 =	simm.s32 $0x8080;
	s16 =	simm.s32 $0x8880;
	[dreg:$0x6] =	wrdreg s19  }
0xc: {  	s17 =	simm.s32 $0x9080;
	s28 =	simm.s32 $0xE080;
	[dreg:$0x7] =	wrdreg s20  }
0xd: {  	s29 =	simm.s32 $0xE880;
	s30 =	simm.s32 $0xF080;
	[dreg:$0x8] =	wrdreg s22  }
0xe: {  	s31 =	simm.s32 $0xF880;
	s1 =	ssub.s32 $0x2, s1;
	[dreg:$0x9] =	wrdreg s23  }
0xf: {  	s21 =	sshrl.u32 s1, $0x1;
	s5 =	sshrl.u32 s4, $0x3;
	[dreg:$0xa] =	wrdreg s7  }
0x10: {  	s4 =	sshll.u32 s4, $0x7;
	s1 =	ssub.s32 s1, s21;
	[dreg:$0xb] =	wrdreg s24  }
0x11: {  	s21 =	simm.s32 $0xB080;
	s5 =	sadd.s32 s5, s6;
	[dreg:$0xc] =	wrdreg s8  }
0x12: {  	s3 =	sadd.s32 s3, s4;
	s4 =	sadd.s32 $0x8B00, s6;
	[dreg:$0xd] =	wrdreg s25  }
0x13: {  	s7 =	smax.u32 s1, $0x1;
	s8 =	simm.s32 $0x2;
	[dreg:$0xe] =	wrdreg s26  }
0x14: {  	s18 =	simm.s32 $0x9880;
	s19 =	simm.s32 $0xA080;
	s20 =	simm.s32 $0xA880  }
0x15: {  	s22 =	simm.s32 $0xB880;
	s23 =	simm.s32 $0xC080;
	s24 =	simm.s32 $0xC880  }
0x16: {  	v2 =	vlaneseq.u32;
	s25 =	simm.s32 $0xD080;
	s26 =	simm.s32 $0xD880;
	s1 =	simm.s32 $0x1  }
0x17: {  	vm0 =	vmmov $0xffff;
	v1 =	vshrl.u32 v2, $0x3;
	s5 =	sadd.s32 $0x8800, s5;
	[dreg:$0x4] =	wrdreg s3;
	s3 =	sadd.s32 $0x8A00, s6  }
0x18: {  	v0 =	vand.u32 $0x7, v2;
	v2 =	vor.u32 $0x8, v2;
	v1 =	vmul.u32 $0x8, v1;
	[dreg:$0x3] =	wrdreg s5;
	s5 =	sadd.s32 $0x8C00, s6;
	s6 =	sadd.s32 $0x8D00, s6  }
.LBB2_1:
0x19: {  	s0 =	rddreg [dreg:$0x3]  }
0x1a: {  	[tilespmem:s2], [sflag:$0x2] =	stream.linear.gather [hbm4b:s0+s2], $0x40, $0x38;
	[tilespmem:$0x10080] =	vst v63  }
0x1b: {  	_ =	swait.ge [sflag:s8], $0x40  }
0x1c: {  	[sflag:s8] =	ssyncset.done $0x0  }
0x1d: {  	s10 =	rddreg [dreg:$0x4];
	[sflag:s8] =	ssyncadd.s32 $0xFFFFFFC0  }
0x1e: {  	[tilespmem:s9], [sflag:$0x2] =	stream.linear.gather [hbm4b:s10+s2], $0x10000, $0x38;
	[tilespmem:$0x10080] =	vst v63  }
0x1f: {  	_ =	swait.ge [sflag:s8], $0x10000  }
0x20: {  	[sflag:s8] =	ssyncset.done $0x0  }
0x21: {  	[sflag:s8] =	ssyncadd.s32 $0xFFFF0000  }
0x22: {  	v3 =	vld [tilespmem:$0x0];
	_ =	sdelay $0x4  }
0x23: {  	v4 =	vshll.u32 v3, $0x3  }
0x24: {  	v3 =	vand.u32 $0x7, v3;
	v4 =	vand.u32 $0xFFFFFFC0, v4  }
0x25: {  	v3 =	vor.u32 v3, v4  }
0x26: {  	v4 =	vperm.xlane v3, v0;
	_ =	sdelay $0x1  }
0x27: {  	v4 =	vadd.s32 v1, v4;
	_ =	sdelay $0x4  }
0x28: {  	[hbm4b:s3+s2] =	stream.indirect_vreg.scatter [tilespmem:s9], [sflag:$0x1], $0x80, v4, vm0, $0xb8;
	[tilespmem:$0x10080] =	vst v63  }
0x29: {  	s0 =	rddreg [dreg:$0x5];
	v3 =	vperm.xlane v3, v2  }
0x2a: {  	[hbm4b:s4+s2] =	stream.indirect_vreg.scatter [tilespmem:s0], [sflag:$0x1], $0x80, v4, vm0, $0xb8;
	[tilespmem:$0x10080] =	vst v63  }
0x2b: {  	s10 =	rddreg [dreg:$0x6];
	v3 =	vadd.s32 v1, v3  }
0x2c: {  	[hbm4b:s5+s2] =	stream.indirect_vreg.scatter [tilespmem:s10], [sflag:$0x1], $0x80, v4, vm0, $0xb8;
	[tilespmem:$0x10080] =	vst v63  }
0x2d: {  	s0 =	rddreg [dreg:$0x7]  }
0x2e: {  	[hbm4b:s6+s2] =	stream.indirect_vreg.scatter [tilespmem:s0], [sflag:$0x1], $0x80, v4, vm0, $0xb8;
	[tilespmem:$0x10080] =	vst v63  }
0x2f: {  	s10 =	rddreg [dreg:$0x8]  }
0x30: {  	[hbm4b:s3+s2] =	stream.indirect_vreg.scatter [tilespmem:s10], [sflag:$0x1], $0x80, v3, vm0, $0xb8;
	[tilespmem:$0x10080] =	vst v63  }
0x31: {  	s0 =	rddreg [dreg:$0x9]  }
0x32: {  	[hbm4b:s4+s2] =	stream.indirect_vreg.scatter [tilespmem:s0], [sflag:$0x1], $0x80, v3, vm0, $0xb8;
	[tilespmem:$0x10080] =	vst v63  }
0x33: {  	s10 =	rddreg [dreg:$0xa]  }
0x34: {  	[hbm4b:s5+s2] =	stream.indirect_vreg.scatter [tilespmem:s10], [sflag:$0x1], $0x80, v3, vm0, $0xb8;
	[tilespmem:$0x10080] =	vst v63  }
0x35: {  	s0 =	rddreg [dreg:$0xb]  }
0x36: {  	[hbm4b:s6+s2] =	stream.indirect_vreg.scatter [tilespmem:s0], [sflag:$0x1], $0x80, v3, vm0, $0xb8;
	[tilespmem:$0x10080] =	vst v63  }
0x37: {  	v3 =	vld [tilespmem:$0x10];
	_ =	sdelay $0x4  }
0x38: {  	v61 =	vshll.u32 v3, $0x3  }
0x39: {  	v3 =	vand.u32 $0x7, v3;
	v4 =	vand.u32 $0xFFFFFFC0, v61  }
0x3a: {  	v3 =	vor.u32 v3, v4  }
0x3b: {  	v4 =	vperm.xlane v3, v0;
	_ =	sdelay $0x1  }
0x3c: {  	v4 =	vadd.s32 v1, v4;
	_ =	sdelay $0x3  }
0x3d: {  	s0 =	rddreg [dreg:$0xc]  }
0x3e: {  	[hbm4b:s3+s2] =	stream.indirect_vreg.scatter [tilespmem:s0], [sflag:$0x1], $0x80, v4, vm0, $0xb8;
	[tilespmem:$0x10080] =	vst v63  }
0x3f: {  	s10 =	rddreg [dreg:$0xd];
	v3 =	vperm.xlane v3, v2  }
0x40: {  	[hbm4b:s4+s2] =	stream.indirect_vreg.scatter [tilespmem:s10], [sflag:$0x1], $0x80, v4, vm0, $0xb8;
	[tilespmem:$0x10080] =	vst v63  }
0x41: {  	v3 =	vadd.s32 v1, v3;
	s0 =	rddreg [dreg:$0xe]  }
0x42: {  	[hbm4b:s5+s2] =	stream.indirect_vreg.scatter [tilespmem:s0], [sflag:$0x1], $0x80, v4, vm0, $0xb8;
	[tilespmem:$0x10080] =	vst v63  }
0x43: {  	s10 =	simm.s32 $0x5880  }
0x44: {  	[hbm4b:s6+s2] =	stream.indirect_vreg.scatter [tilespmem:s10], [sflag:$0x1], $0x80, v4, vm0, $0xb8;
	[tilespmem:$0x10080] =	vst v63  }
0x45: {  	_ = 	snop  }
0x46: {  	[hbm4b:s3+s2] =	stream.indirect_vreg.scatter [tilespmem:s11], [sflag:$0x1], $0x80, v3, vm0, $0xb8;
	[tilespmem:$0x10080] =	vst v63  }
0x47: {  	_ = 	snop  }
0x48: {  	[hbm4b:s4+s2] =	stream.indirect_vreg.scatter [tilespmem:s12], [sflag:$0x1], $0x80, v3, vm0, $0xb8;
	[tilespmem:$0x10080] =	vst v63  }
0x49: {  	_ = 	snop  }
0x4a: {  	[hbm4b:s5+s2] =	stream.indirect_vreg.scatter [tilespmem:s13], [sflag:$0x1], $0x80, v3, vm0, $0xb8;
	[tilespmem:$0x10080] =	vst v63  }
0x4b: {  	_ = 	snop  }
0x4c: {  	[hbm4b:s6+s2] =	stream.indirect_vreg.scatter [tilespmem:s14], [sflag:$0x1], $0x80, v3, vm0, $0xb8;
	[tilespmem:$0x10080] =	vst v63  }
0x4d: {  	v3 =	vld [tilespmem:$0x20];
	_ =	sdelay $0x4  }
0x4e: {  	v62 =	vshll.u32 v3, $0x3  }
0x4f: {  	v3 =	vand.u32 $0x7, v3;
	v4 =	vand.u32 $0xFFFFFFC0, v62  }
0x50: {  	v3 =	vor.u32 v3, v4  }
0x51: {  	v4 =	vperm.xlane v3, v0;
	_ =	sdelay $0x1  }
0x52: {  	v4 =	vadd.s32 v1, v4;
	_ =	sdelay $0x4  }
0x53: {  	[hbm4b:s3+s2] =	stream.indirect_vreg.scatter [tilespmem:s15], [sflag:$0x1], $0x80, v4, vm0, $0xb8;
	[tilespmem:$0x10080] =	vst v63  }
0x54: {  	v3 =	vperm.xlane v3, v2  }
0x55: {  	[hbm4b:s4+s2] =	stream.indirect_vreg.scatter [tilespmem:s16], [sflag:$0x1], $0x80, v4, vm0, $0xb8;
	[tilespmem:$0x10080] =	vst v63  }
0x56: {  	v3 =	vadd.s32 v1, v3  }
0x57: {  	[hbm4b:s5+s2] =	stream.indirect_vreg.scatter [tilespmem:s17], [sflag:$0x1], $0x80, v4, vm0, $0xb8;
	[tilespmem:$0x10080] =	vst v63  }
0x58: {  	_ = 	snop  }
0x59: {  	[hbm4b:s6+s2] =	stream.indirect_vreg.scatter [tilespmem:s18], [sflag:$0x1], $0x80, v4, vm0, $0xb8;
	[tilespmem:$0x10080] =	vst v63  }
0x5a: {  	_ = 	snop  }
0x5b: {  	[hbm4b:s3+s2] =	stream.indirect_vreg.scatter [tilespmem:s19], [sflag:$0x1], $0x80, v3, vm0, $0xb8;
	[tilespmem:$0x10080] =	vst v63  }
0x5c: {  	_ = 	snop  }
0x5d: {  	[hbm4b:s4+s2] =	stream.indirect_vreg.scatter [tilespmem:s20], [sflag:$0x1], $0x80, v3, vm0, $0xb8;
	[tilespmem:$0x10080] =	vst v63  }
0x5e: {  	_ = 	snop  }
0x5f: {  	[hbm4b:s5+s2] =	stream.indirect_vreg.scatter [tilespmem:s21], [sflag:$0x1], $0x80, v3, vm0, $0xb8;
	[tilespmem:$0x10080] =	vst v63  }
0x60: {  	_ = 	snop  }
0x61: {  	[hbm4b:s6+s2] =	stream.indirect_vreg.scatter [tilespmem:s22], [sflag:$0x1], $0x80, v3, vm0, $0xb8;
	[tilespmem:$0x10080] =	vst v63  }
0x62: {  	v3 =	vld [tilespmem:$0x30];
	_ =	sdelay $0x4  }
0x63: {  	v63 =	vshll.u32 v3, $0x3  }
0x64: {  	v3 =	vand.u32 $0x7, v3;
	v4 =	vand.u32 $0xFFFFFFC0, v63  }
0x65: {  	v3 =	vor.u32 v3, v4  }
0x66: {  	v4 =	vperm.xlane v3, v0;
	_ =	sdelay $0x1  }
0x67: {  	v4 =	vadd.s32 v1, v4;
	_ =	sdelay $0x4  }
0x68: {  	[hbm4b:s3+s2] =	stream.indirect_vreg.scatter [tilespmem:s23], [sflag:$0x1], $0x80, v4, vm0, $0xb8;
	[tilespmem:$0x10080] =	vst v63  }
0x69: {  	v3 =	vperm.xlane v3, v2  }
0x6a: {  	[hbm4b:s4+s2] =	stream.indirect_vreg.scatter [tilespmem:s24], [sflag:$0x1], $0x80, v4, vm0, $0xb8;
	[tilespmem:$0x10080] =	vst v63  }
0x6b: {  	v3 =	vadd.s32 v1, v3  }
0x6c: {  	[hbm4b:s5+s2] =	stream.indirect_vreg.scatter [tilespmem:s25], [sflag:$0x1], $0x80, v4, vm0, $0xb8;
	[tilespmem:$0x10080] =	vst v63  }
0x6d: {  	_ = 	snop  }
0x6e: {  	[hbm4b:s6+s2] =	stream.indirect_vreg.scatter [tilespmem:s26], [sflag:$0x1], $0x80, v4, vm0, $0xb8;
	[tilespmem:$0x10080] =	vst v63  }
0x6f: {  	_ = 	snop  }
0x70: {  	[hbm4b:s3+s2] =	stream.indirect_vreg.scatter [tilespmem:s28], [sflag:$0x1], $0x80, v3, vm0, $0xb8;
	[tilespmem:$0x10080] =	vst v63  }
0x71: {  	_ = 	snop  }
0x72: {  	[hbm4b:s4+s2] =	stream.indirect_vreg.scatter [tilespmem:s29], [sflag:$0x1], $0x80, v3, vm0, $0xb8;
	[tilespmem:$0x10080] =	vst v63  }
0x73: {  	p0 =	sne.s32 s7, $0x1  }
0x74: {  	[hbm4b:s5+s2] =	stream.indirect_vreg.scatter [tilespmem:s30], [sflag:$0x1], $0x80, v3, vm0, $0xb8;
	[tilespmem:$0x10080] =	vst v63  }
.Ltmp0:
0x75: {  	_ = 	snop;
	(pc) =	sbr.rel @p0 .LBB2_1-.Ltmp0, $4  }
0x76: {  	[hbm4b:s6+s2] =	stream.indirect_vreg.scatter [tilespmem:s31], [sflag:$0x1], $0x80, v3, vm0, $0xb8;
	[tilespmem:$0x10080] =	vst v63  }
0x77: {  	_ =	swait.ge [sflag:s1], $0x10000  }
0x78: {  	[sflag:s1] =	ssyncset.done $0x0  }
0x79: {  	s7 =	sadd.s32 $0xFFFFFFFF, s7;
	[sflag:s1] =	ssyncadd.s32 $0xFFFF0000  }
0x7a: {  	_ =	sfence.sel $0x180000  }
0x7b: {  	[bflag:$0x0] =	sbarrier.arrive $0xFFFF  }
0x7c: {  	_ =	strace $0x90000047  }
0x7d: {  	s0 =	stileid.u32;
	[bflag:$0x2] =	sbarrier.arrive $0xFFFF  }
0x7e: {  	p0 =	sne.s32 s0, $0x0;
	s0 =	rddreg [dreg:$0x2]  }
0x7f: {  	s0 =	sadd.s32 @!p0 $0x100000, s0  }
0x80: {  	[sflag:s0] =	ssyncadd.tile.s32 @!p0 $0x1;
	_ =	shalt  }
.Lfunc_end2:
_tile_overlayer_lowered:
.L_overlay_start_2:
0x81: {  	(tag) =	ssettag $0x2  }
0x82: {  	s0 =	rddreg [dreg:$0x0];
	s2 =	stileid.u32  }
0x83: {  	s1 =	rddreg [dreg:$0x1];
	p0 =	sne.s32 s2, $0x0  }
0x84: {  	s3 =	rddreg [dreg:$0x2];
	[bflag:$0x3] =	sbarrier.arrive $0xFFFF;
	s2 =	simm.s32 @!p0 $0x1C02  }
0x85: {  	[timem:s3], [sflag:s2] =	dma.local @!p0 [hbm:s0], s1  }
0x86: {  	s0 =	simm.s32 @!p0 $0x2  }
0x87: {  	_ =	swait.ge @!p0 [sflag:s0], s1  }
0x88: {  	s1 =	ssub.s32 @!p0 $0x0, s1;
	[sflag:s0] =	ssyncset.done @!p0 $0x0  }
0x89: {  	[sflag:s0] =	ssyncadd.s32 @!p0 s1  }
0x8a: {  	[bflag:$0x3] =	sbarrier.arrive $0xFFFF  }
0x8b: {  	_ =	shalt  }

</sc_bundles>
